<compile_context>
chip_gen: v7x
topology: tpu7x:2x2x1
jax: 0.10.2.dev20260603
libtpu: 0.0.44.dev20260713+nightly
codegen_flags: <defaults>
</compile_context>

<pallas_src>
import functools

import jax
import jax.numpy as jnp
from jax import lax
from jax.experimental import pallas as pl
from jax.experimental.pallas import tpu as pltpu
from jax.experimental.pallas import tpu_sc as plsc

N = 10000
E = 320000
D = 128
DO = 16
NC = 2
NS = 16
NW = NC * NS
EB = 128
NBW = 80
NBLK = NW * NBW
E2 = NBLK * EB
NPAIR = NBW // 2
NP = 10080
ZR = 80
NZ = NP // ZR
L = 16
BN_EPS = 1e-5
RB = 1000

_mesh = plsc.VectorSubcoreMesh(core_axis_name="c", subcore_axis_name="s")
_sc_params = pltpu.CompilerParams(use_tc_tiling_on_sc=False)



@functools.partial(
    pl.kernel,
    out_type=jax.ShapeDtypeStruct((NC, NP, L), jnp.float32),
    mesh=_mesh,
    compiler_params=_sc_params,
    scratch_types=[
        pltpu.VMEM((EB, L), jnp.float32),
        pltpu.VMEM((1, EB), jnp.int32),
        pltpu.VMEM((1, EB), jnp.int32),
        pltpu.VMEM((ZR, L), jnp.float32),
        pltpu.VMEM_SHARED((NP, L), jnp.float32),
        pltpu.SemaphoreType.DMA,
        pltpu.SemaphoreType.DMA,
    ],
)
def _sc_count(dst_hbm, acc_hbm, ones_v, didx_a, didx_b, zbuf_v, shared,
              sem_a, sem_b):
    c = lax.axis_index("c")
    s = lax.axis_index("s")
    w = s * NC + c
    base = w * NBW

    @pl.loop(0, EB)
    def _(i):
        ones_v[i, :] = jnp.full((L,), 1.0, jnp.float32)

    @pl.loop(0, ZR)
    def _(i):
        zbuf_v[i, :] = jnp.zeros((L,), jnp.float32)

    @pl.loop(s, NZ, step=NS)
    def _(i):
        pltpu.sync_copy(zbuf_v, shared.at[pl.ds(i * ZR, ZR)])

    plsc.subcore_barrier()

    def start_idx(buf, sem, k):
        pltpu.async_copy(dst_hbm.at[pl.ds(base + k, 1)], buf, sem)

    def wait_idx(buf, sem):
        pltpu.make_async_copy(dst_hbm.at[pl.ds(base, 1)], buf, sem).wait()

    start_idx(didx_a, sem_a, 0)
    start_idx(didx_b, sem_b, 1)

    @pl.loop(0, NPAIR)
    def _(j):
        wait_idx(didx_a, sem_a)
        pltpu.sync_copy(ones_v, shared.at[didx_a.at[0]], add=True)

        @pl.when(j < NPAIR - 1)
        def _():
            start_idx(didx_a, sem_a, 2 * j + 2)

        wait_idx(didx_b, sem_b)
        pltpu.sync_copy(ones_v, shared.at[didx_b.at[0]], add=True)

        @pl.when(j < NPAIR - 1)
        def _():
            start_idx(didx_b, sem_b, 2 * j + 3)

    plsc.subcore_barrier()

    @pl.loop(s, NZ, step=NS)
    def _(i):
        pltpu.sync_copy(shared.at[pl.ds(i * ZR, ZR)],
                        acc_hbm.at[c].at[pl.ds(i * ZR, ZR)])


def _make_sc_propagate(width):
    @functools.partial(
        pl.kernel,
        out_type=jax.ShapeDtypeStruct((NC, NP, width), jnp.float32),
        mesh=_mesh,
        compiler_params=_sc_params,
        scratch_types=[
            pltpu.VMEM((1, EB), jnp.int32),
            pltpu.VMEM((1, EB), jnp.int32),
            pltpu.VMEM((1, EB), jnp.int32),
            pltpu.VMEM((1, EB), jnp.int32),
            pltpu.VMEM((EB, width), jnp.float32),
            pltpu.VMEM((EB, width), jnp.float32),
            pltpu.VMEM((ZR, width), jnp.float32),
            pltpu.VMEM_SHARED((NP, width), jnp.float32),
            pltpu.SemaphoreType.DMA,
            pltpu.SemaphoreType.DMA,
            pltpu.SemaphoreType.DMA,
            pltpu.SemaphoreType.DMA,
        ],
    )
    def _sc_prop(vals_hbm, src_hbm, dst_hbm, acc_hbm,
                 sidx_a, didx_a, sidx_b, didx_b, rows_a, rows_b,
                 zbuf_v, shared, sem_ia, sem_ib, sem_ga, sem_gb):
        c = lax.axis_index("c")
        s = lax.axis_index("s")
        w = s * NC + c
        base = w * NBW

        @pl.loop(0, ZR)
        def _(i):
            @pl.loop(0, width, step=L)
            def _(j):
                zbuf_v[i, pl.ds(j, L)] = jnp.zeros((L,), jnp.float32)

        @pl.loop(s, NZ, step=NS)
        def _(i):
            pltpu.sync_copy(zbuf_v, shared.at[pl.ds(i * ZR, ZR)])

        plsc.subcore_barrier()

        def start_idx(sbuf, dbuf, sem, k):
            pltpu.async_copy(src_hbm.at[pl.ds(base + k, 1)], sbuf, sem)
            pltpu.async_copy(dst_hbm.at[pl.ds(base + k, 1)], dbuf, sem)

        def wait_idx(sbuf, dbuf, sem):
            pltpu.make_async_copy(src_hbm.at[pl.ds(base, 1)], sbuf, sem).wait()
            pltpu.make_async_copy(dst_hbm.at[pl.ds(base, 1)], dbuf, sem).wait()

        def start_gather(sbuf, rbuf, sem):
            pltpu.async_copy(vals_hbm.at[sbuf.at[0]], rbuf, sem)

        def wait_gather(sbuf, rbuf, sem):
            pltpu.make_async_copy(vals_hbm.at[sbuf.at[0]], rbuf, sem).wait()

        start_idx(sidx_a, didx_a, sem_ia, 0)
        start_idx(sidx_b, didx_b, sem_ib, 1)
        wait_idx(sidx_a, didx_a, sem_ia)
        start_gather(sidx_a, rows_a, sem_ga)

        @pl.loop(0, NPAIR)
        def _(j):
            wait_gather(sidx_a, rows_a, sem_ga)
            wait_idx(sidx_b, didx_b, sem_ib)
            start_gather(sidx_b, rows_b, sem_gb)
            pltpu.sync_copy(rows_a, shared.at[didx_a.at[0]], add=True)

            @pl.when(j < NPAIR - 1)
            def _():
                start_idx(sidx_a, didx_a, sem_ia, 2 * j + 2)

            wait_gather(sidx_b, rows_b, sem_gb)

            @pl.when(j < NPAIR - 1)
            def _():
                wait_idx(sidx_a, didx_a, sem_ia)
                start_gather(sidx_a, rows_a, sem_ga)

            pltpu.sync_copy(rows_b, shared.at[didx_b.at[0]], add=True)

            @pl.when(j < NPAIR - 1)
            def _():
                start_idx(sidx_b, didx_b, sem_ib, 2 * j + 3)

        plsc.subcore_barrier()

        @pl.loop(s, NZ, step=NS)
        def _(i):
            pltpu.sync_copy(shared.at[pl.ds(i * ZR, ZR)],
                            acc_hbm.at[c].at[pl.ds(i * ZR, ZR)])

    return _sc_prop


_sc_prop_d = _make_sc_propagate(D)
_sc_prop_do = _make_sc_propagate(DO)



def _tc_mm1_body(x_ref, w_ref, h_ref):
    h_ref[...] = jnp.dot(x_ref[...], w_ref[...],
                         preferred_element_type=jnp.float32)


def _tc_mm1(x, w1):
    return pl.pallas_call(
        _tc_mm1_body,
        grid=(N // RB,),
        in_specs=[
            pl.BlockSpec((RB, D), lambda i: (i, 0)),
            pl.BlockSpec((D, D), lambda i: (0, 0)),
        ],
        out_specs=pl.BlockSpec((RB, D), lambda i: (i, 0)),
        out_shape=jax.ShapeDtypeStruct((N, D), jnp.float32),
    )(x, w1)


def _tc_scale_body(degacc_ref, h1_ref, dinv_ref, h1s_ref):
    deg = degacc_ref[0] + degacc_ref[1] + 1.0
    dinv = lax.rsqrt(deg)
    dinv_ref[...] = dinv
    h1s_ref[...] = h1_ref[...] * dinv[:, :1]


def _tc_scale(degacc, h1):
    return pl.pallas_call(
        _tc_scale_body,
        grid=(N // RB,),
        in_specs=[
            pl.BlockSpec((NC, RB, L), lambda i: (0, i, 0)),
            pl.BlockSpec((RB, D), lambda i: (i, 0)),
        ],
        out_specs=[
            pl.BlockSpec((RB, L), lambda i: (i, 0)),
            pl.BlockSpec((RB, D), lambda i: (i, 0)),
        ],
        out_shape=[
            jax.ShapeDtypeStruct((N, L), jnp.float32),
            jax.ShapeDtypeStruct((N, D), jnp.float32),
        ],
    )(degacc, h1)


def _tc_mid_body(acc_ref, h1_ref, dinv_ref, b1_ref, g_ref, be_ref, w2_ref,
                 h2_ref, h2s_ref):
    dinv = dinv_ref[:, :1]
    out1 = (acc_ref[0] + acc_ref[1]) * dinv + h1_ref[...] * (dinv * dinv)
    out1 = out1 + b1_ref[...]
    act = jnp.maximum(out1, 0.0)
    scale = g_ref[...] * lax.rsqrt(jnp.float32(1.0 + BN_EPS))
    act = act * scale + be_ref[...]
    h2 = jnp.dot(act, w2_ref[...], preferred_element_type=jnp.float32)
    h2_ref[...] = h2
    h2s_ref[...] = h2 * dinv


def _tc_mid(accv, h1, dinv16, b1, gamma, beta, w2p):
    return pl.pallas_call(
        _tc_mid_body,
        grid=(N // RB,),
        in_specs=[
            pl.BlockSpec((NC, RB, D), lambda i: (0, i, 0)),
            pl.BlockSpec((RB, D), lambda i: (i, 0)),
            pl.BlockSpec((RB, L), lambda i: (i, 0)),
            pl.BlockSpec((1, D), lambda i: (0, 0)),
            pl.BlockSpec((1, D), lambda i: (0, 0)),
            pl.BlockSpec((1, D), lambda i: (0, 0)),
            pl.BlockSpec((D, DO), lambda i: (0, 0)),
        ],
        out_specs=[
            pl.BlockSpec((RB, DO), lambda i: (i, 0)),
            pl.BlockSpec((RB, DO), lambda i: (i, 0)),
        ],
        out_shape=[
            jax.ShapeDtypeStruct((N, DO), jnp.float32),
            jax.ShapeDtypeStruct((N, DO), jnp.float32),
        ],
    )(accv, h1, dinv16, b1, gamma, beta, w2p)


def _tc_fin_body(acc_ref, h2_ref, dinv_ref, b2_ref, out_ref):
    dinv = dinv_ref[:, :1]
    out = (acc_ref[0] + acc_ref[1]) * dinv + h2_ref[...] * (dinv * dinv)
    out_ref[...] = out + b2_ref[...]


def _tc_fin(acc2, h2, dinv16, b2p):
    return pl.pallas_call(
        _tc_fin_body,
        grid=(N // RB,),
        in_specs=[
            pl.BlockSpec((NC, RB, DO), lambda i: (0, i, 0)),
            pl.BlockSpec((RB, DO), lambda i: (i, 0)),
            pl.BlockSpec((RB, L), lambda i: (i, 0)),
            pl.BlockSpec((1, DO), lambda i: (0, 0)),
        ],
        out_specs=pl.BlockSpec((RB, DO), lambda i: (i, 0)),
        out_shape=jax.ShapeDtypeStruct((N, DO), jnp.float32),
    )(acc2, h2, dinv16, b2p)



def kernel(x, edge_index, W1, b1, gamma, beta, W2, b2):
    pad = E2 - E
    src = jnp.concatenate(
        [edge_index[0], jnp.zeros((pad,), jnp.int32)]).reshape(NBLK, EB)
    trash = N + jnp.arange(pad, dtype=jnp.int32) % (NP - N)
    dst = jnp.concatenate([edge_index[1], trash]).reshape(NBLK, EB)

    w2p = jnp.zeros((D, DO), jnp.float32).at[:, :3].set(W2)
    b2p = jnp.zeros((1, DO), jnp.float32).at[0, :3].set(b2)

    degacc = _sc_count(dst)
    h1 = _tc_mm1(x, W1)
    dinv16, h1s = _tc_scale(degacc, h1)
    accv = _sc_prop_d(h1s, src, dst)
    h2, h2s = _tc_mid(accv, h1, dinv16,
                      b1.reshape(1, D), gamma.reshape(1, D),
                      beta.reshape(1, D), w2p)
    acc2 = _sc_prop_do(h2s, src, dst)
    out16 = _tc_fin(acc2, h2, dinv16, b2p)
    return out16[:, :3]

# --- scband reference (transcript-rebuilt; emitter-appended) ---
"""Pipeline reference for scband-splice-graph-31361851195944 (READ-ONLY COPY).

The authoritative reference and input builder live on the scoring server;
editing this copy changes nothing except your own understanding.
"""

import jax, jax.numpy as jnp
import numpy as np

N = 10000
E = 320000
D_IN = 128
D_HID = 128
D_OUT = 3
BN_EPS = 1e-5


def setup_inputs(seed: int = 0) -> dict:
    key = jax.random.key(seed)
    ks = jax.random.split(key, 8)
    x = jax.random.normal(ks[0], (N, D_IN), dtype=jnp.float32)
    edge_index = jax.random.randint(ks[1], (2, E), 0, N, dtype=jnp.int32)
    W1 = jax.random.normal(ks[2], (D_IN, D_HID), dtype=jnp.float32) * (1.0 / np.sqrt(D_IN))
    b1 = jnp.zeros((D_HID,), dtype=jnp.float32)
    gamma = jax.random.uniform(ks[3], (D_HID,), dtype=jnp.float32, minval=0.8, maxval=1.2)
    beta = jax.random.normal(ks[4], (D_HID,), dtype=jnp.float32) * 0.1
    W2 = jax.random.normal(ks[5], (D_HID, D_OUT), dtype=jnp.float32) * (1.0 / np.sqrt(D_HID))
    b2 = jnp.zeros((D_OUT,), dtype=jnp.float32)
    return {"x": x, "edge_index": edge_index, "W1": W1, "b1": b1,
            "gamma": gamma, "beta": beta, "W2": W2, "b2": b2}


def _gcn_conv(x, edge_index, W, b):
    # GCNConv: out = D^{-1/2} (A + I) D^{-1/2} X W + b
    n = x.shape[0]
    src = edge_index[0]
    dst = edge_index[1]
    loop = jnp.arange(n, dtype=src.dtype)
    src2 = jnp.concatenate([src, loop])
    dst2 = jnp.concatenate([dst, loop])
    ones = jnp.ones(src2.shape[0], dtype=x.dtype)
    deg = jax.ops.segment_sum(ones, dst2, num_segments=n)
    dinv = jnp.where(deg > 0, jax.lax.rsqrt(jnp.maximum(deg, 1e-12)), 0.0)
    norm = dinv[src2] * dinv[dst2]
    h = x @ W
    msg = h[src2] * norm[:, None]
    out = jax.ops.segment_sum(msg, dst2, num_segments=n)
    return out + b


def reference(x, edge_index, W1, b1, gamma, beta, W2, b2):
    h = _gcn_conv(x, edge_index, W1, b1)
    h = jax.nn.relu(h)
    # BatchNorm in eval mode with fresh buffers (running_mean=0, running_var=1)
    h = h * (gamma * jax.lax.rsqrt(jnp.asarray(1.0 + BN_EPS, dtype=h.dtype))) + beta
    # F.dropout with training=False is identity (eval mode)
    out = _gcn_conv(h, edge_index, W2, b2)
    return out

if __name__ == "__main__":
    import jax
    _d = setup_inputs()
    print(jax.jit(kernel)(*tuple(_d.values())))

</pallas_src>

<mosaic_0001>
#map = affine_map<(d0, d1) -> (0, 0)>
#map1 = affine_map<(d0, d1) -> (0, 0, 0)>
module attributes {stable_mosaic.version = 14 : i64} {
  func.func @_sc_prop(%arg0: i32, %arg1: i32, %arg2: memref<10000x128xf32, #tpu.memory_space<hbm>>, %arg3: memref<2560x128xi32, #tpu.memory_space<hbm>>, %arg4: memref<2560x128xi32, #tpu.memory_space<hbm>>, %arg5: memref<2x10080x128xf32, #tpu.memory_space<hbm>>, %arg6: memref<1x128xi32, #tpu.memory_space<vmem>>, %arg7: memref<1x128xi32, #tpu.memory_space<vmem>>, %arg8: memref<1x128xi32, #tpu.memory_space<vmem>>, %arg9: memref<1x128xi32, #tpu.memory_space<vmem>>, %arg10: memref<128x128xf32, #tpu.memory_space<vmem>>, %arg11: memref<128x128xf32, #tpu.memory_space<vmem>>, %arg12: memref<80x128xf32, #tpu.memory_space<vmem>>, %arg13: memref<10080x128xf32, #tpu.memory_space<vmem_shared>>, %arg14: memref<!tpu.dma_semaphore, #tpu.memory_space<semaphore_mem>>, %arg15: memref<!tpu.dma_semaphore, #tpu.memory_space<semaphore_mem>>, %arg16: memref<!tpu.dma_semaphore, #tpu.memory_space<semaphore_mem>>, %arg17: memref<!tpu.dma_semaphore, #tpu.memory_space<semaphore_mem>>) attributes {dimension_semantics = [#tpu.dimension_semantics<core_parallel>, #tpu.dimension_semantics<subcore_parallel>], iteration_bounds = array<i64: 2, 16>, scalar_prefetch = 0 : i64, scratch_operands = 12 : i64, tpu.core_type = #tpu.core_type<sc_vector_subcore>, window_params = [{transform_indices = #map}, {transform_indices = #map}, {transform_indices = #map}, {transform_indices = #map1}]} {
    %mul3A = arith.constant 2 : i32
    %mul3A_0 = arith.muli %arg1, %mul3A : i32
    %add3A = arith.addi %mul3A_0, %arg0 : i32
    %mul3A_1 = arith.constant 80 : i32
    %mul3A_2 = arith.muli %add3A, %mul3A_1 : i32
    %scan3A = arith.constant 0 : i32
    %scan3A_3 = arith.constant 80 : i32
    %scan3A_4 = arith.addi %scan3A, %scan3A_3 : i32
    %scan3A_5 = arith.constant 1 : i32
    scf.for %scan3A_83 = %scan3A to %scan3A_4 step %scan3A_5  : i32 {
      %mul3A_84 = arith.constant 1 : i32
      %mul3A_85 = arith.muli %scan3A_83, %mul3A_84 : i32
      %add3A_86 = arith.constant 0 : i32
      %add3A_87 = arith.addi %add3A_86, %mul3A_85 : i32
      %scan3A_88 = arith.constant 0 : i32
      %scan3A_89 = arith.constant 8 : i32
      %scan3A_90 = arith.addi %scan3A_88, %scan3A_89 : i32
      %scan3A_91 = arith.constant 1 : i32
      scf.for %scan3A_93 = %scan3A_88 to %scan3A_90 step %scan3A_91  : i32 {
        %mul3A_94 = arith.constant 16 : i32
        %mul3A_95 = arith.muli %scan3A_93, %mul3A_94 : i32
        %add3A_96 = arith.constant 0 : i32
        %add3A_97 = arith.addi %add3A_96, %mul3A_95 : i32
        %broadcast_in_dim3A = arith.constant 0.000000e+00 : f32
        %broadcast_in_dim3A_98 = vector.broadcast %broadcast_in_dim3A : f32 to vector<16xf32>
        %swap3A = arith.index_cast %add3A_87 : i32 to index
        %swap3A_99 = arith.index_cast %add3A_97 : i32 to index
        %swap3A_100 = tpu.vector_load %arg12[%swap3A, %swap3A_99] {strides = array<i32>} : memref<80x128xf32, #tpu.memory_space<vmem>>, vector<1x16xf32>,
        %swap3A_101 = vector.shape_cast %swap3A_100 : vector<1x16xf32> to vector<16xf32>
        %swap3A_102 = vector.shape_cast %broadcast_in_dim3A_98 : vector<16xf32> to vector<1x16xf32>
        tpu.vector_store %arg12[%swap3A, %swap3A_99], %swap3A_102 {strides = array<i32>} : memref<80x128xf32, #tpu.memory_space<vmem>>, vector<1x16xf32>,
      }
      %scan3A_92 = arith.constant 8 : i32
    }
    %scan3A_6 = arith.constant 80 : i32
    %sub3A = arith.constant 126 : i32
    %sub3A_7 = arith.subi %sub3A, %arg1 : i32
    %sub3A_8 = arith.constant 16 : i32
    %sub3A_9 = arith.constant 1 : i32
    %sub3A_10 = arith.subi %sub3A_8, %sub3A_9 : i32
    %add3A_11 = arith.addi %sub3A_7, %sub3A_10 : i32
    %div3A = arith.constant 16 : i32
    %div3A_12 = arith.divsi %add3A_11, %div3A : i32
    %while3A = arith.constant 16 : i32
    %while3A_13 = arith.constant 0 : i32
    %while3A_14 = arith.subi %div3A_12, %while3A_13 : i32
    %while3A_15 = arith.addi %while3A_13, %while3A_14 : i32
    %while3A_16 = arith.constant 1 : i32
    %while3A_17 = arith.divsi %while3A_14, %while3A_16 : i32
    %while3A_18 = arith.muli %while3A_17, %while3A_16 : i32
    %while3A_19 = arith.addi %while3A_13, %while3A_18 : i32
    %while3A_20 = arith.constant 1 : i32
    scf.for %while3A_83 = %while3A_13 to %while3A_19 step %while3A_20  : i32 {
      %mul3A_84 = arith.muli %while3A_83, %while3A : i32
      %add3A_85 = arith.addi %arg1, %mul3A_84 : i32
      %mul3A_86 = arith.constant 80 : i32
      %mul3A_87 = arith.muli %add3A_85, %mul3A_86 : i32
      "tpu.region"() ({
        %run_scoped3A = tpu.sem_alloc : memref<!tpu.dma_semaphore, #tpu.memory_space<semaphore_mem>>
        %dma_start3A_88 = arith.constant 0 : i32
        %dma_start3A_89 = tpu.memref_slice %arg13[%mul3A_87, %dma_start3A_88] : memref<10080x128xf32, #tpu.memory_space<vmem_shared>> -> memref<80x128xf32, #tpu.memory_space<vmem_shared>>
        %dma_start3A_90 = arith.constant 0 : i32
        %dma_start3A_91 = tpu.memref_slice %arg13[%mul3A_87, %dma_start3A_90] : memref<10080x128xf32, #tpu.memory_space<vmem_shared>> -> memref<80x128xf32, #tpu.memory_space<vmem_shared>>
        tpu.enqueue_dma source(%arg12 : memref<80x128xf32, #tpu.memory_space<vmem>>) target(%dma_start3A_91 : memref<80x128xf32, #tpu.memory_space<vmem_shared>>) target_semaphore(%run_scoped3A : memref<!tpu.dma_semaphore, #tpu.memory_space<semaphore_mem>>)
        %dma_wait3A_92 = arith.constant 0 : i32
        %dma_wait3A_93 = tpu.memref_slice %arg13[%mul3A_87, %dma_wait3A_92] : memref<10080x128xf32, #tpu.memory_space<vmem_shared>> -> memref<80x128xf32, #tpu.memory_space<vmem_shared>>
        %dma_wait3A_94 = arith.constant 0 : i32
        %dma_wait3A_95 = tpu.memref_slice %arg13[%mul3A_87, %dma_wait3A_94] : memref<10080x128xf32, #tpu.memory_space<vmem_shared>> -> memref<80x128xf32, #tpu.memory_space<vmem_shared>>
        tpu.wait_dma2 semaphore(%run_scoped3A : memref<!tpu.dma_semaphore, #tpu.memory_space<semaphore_mem>>) src(%arg12 : memref<80x128xf32, #tpu.memory_space<vmem>>) dst(%dma_wait3A_95 : memref<80x128xf32, #tpu.memory_space<vmem_shared>>)
        tpu.yield
      }) : () -> ()
    }
    %while3A_21 = arith.constant 1 : i32
    scf.for %while3A_83 = %while3A_19 to %while3A_15 step %while3A_21  : i32 {
      %mul3A_84 = arith.muli %while3A_83, %while3A : i32
      %add3A_85 = arith.addi %arg1, %mul3A_84 : i32
      %mul3A_86 = arith.constant 80 : i32
      %mul3A_87 = arith.muli %add3A_85, %mul3A_86 : i32
      "tpu.region"() ({
        %run_scoped3A = tpu.sem_alloc : memref<!tpu.dma_semaphore, #tpu.memory_space<semaphore_mem>>
        %dma_start3A_88 = arith.constant 0 : i32
        %dma_start3A_89 = tpu.memref_slice %arg13[%mul3A_87, %dma_start3A_88] : memref<10080x128xf32, #tpu.memory_space<vmem_shared>> -> memref<80x128xf32, #tpu.memory_space<vmem_shared>>
        %dma_start3A_90 = arith.constant 0 : i32
        %dma_start3A_91 = tpu.memref_slice %arg13[%mul3A_87, %dma_start3A_90] : memref<10080x128xf32, #tpu.memory_space<vmem_shared>> -> memref<80x128xf32, #tpu.memory_space<vmem_shared>>
        tpu.enqueue_dma source(%arg12 : memref<80x128xf32, #tpu.memory_space<vmem>>) target(%dma_start3A_91 : memref<80x128xf32, #tpu.memory_space<vmem_shared>>) target_semaphore(%run_scoped3A : memref<!tpu.dma_semaphore, #tpu.memory_space<semaphore_mem>>)
        %dma_wait3A_92 = arith.constant 0 : i32
        %dma_wait3A_93 = tpu.memref_slice %arg13[%mul3A_87, %dma_wait3A_92] : memref<10080x128xf32, #tpu.memory_space<vmem_shared>> -> memref<80x128xf32, #tpu.memory_space<vmem_shared>>
        %dma_wait3A_94 = arith.constant 0 : i32
        %dma_wait3A_95 = tpu.memref_slice %arg13[%mul3A_87, %dma_wait3A_94] : memref<10080x128xf32, #tpu.memory_space<vmem_shared>> -> memref<80x128xf32, #tpu.memory_space<vmem_shared>>
        tpu.wait_dma2 semaphore(%run_scoped3A : memref<!tpu.dma_semaphore, #tpu.memory_space<semaphore_mem>>) src(%arg12 : memref<80x128xf32, #tpu.memory_space<vmem>>) dst(%dma_wait3A_95 : memref<80x128xf32, #tpu.memory_space<vmem_shared>>)
        tpu.yield
      }) : () -> ()
    }
    %barrier3A = arith.constant 0 : index
    tpu.barrier barrier_id(%barrier3A)
    %add3A_22 = arith.constant 0 : i32
    %add3A_23 = arith.addi %mul3A_2, %add3A_22 : i32
    %dma_start3A = arith.constant 0 : i32
    %dma_start3A_24 = tpu.memref_slice %arg3[%add3A_23, %dma_start3A] : memref<2560x128xi32, #tpu.memory_space<hbm>> -> memref<1x128xi32, #tpu.memory_space<hbm>>
    %dma_start3A_25 = arith.constant 0 : i32
    %dma_start3A_26 = tpu.memref_slice %arg3[%add3A_23, %dma_start3A_25] : memref<2560x128xi32, #tpu.memory_space<hbm>> -> memref<1x128xi32, #tpu.memory_space<hbm>>
    tpu.enqueue_dma source(%dma_start3A_26 : memref<1x128xi32, #tpu.memory_space<hbm>>) target(%arg6 : memref<1x128xi32, #tpu.memory_space<vmem>>) target_semaphore(%arg14 : memref<!tpu.dma_semaphore, #tpu.memory_space<semaphore_mem>>)
    %add3A_27 = arith.constant 0 : i32
    %add3A_28 = arith.addi %mul3A_2, %add3A_27 : i32
    %dma_start3A_29 = arith.constant 0 : i32
    %dma_start3A_30 = tpu.memref_slice %arg4[%add3A_28, %dma_start3A_29] : memref<2560x128xi32, #tpu.memory_space<hbm>> -> memref<1x128xi32, #tpu.memory_space<hbm>>
    %dma_start3A_31 = arith.constant 0 : i32
    %dma_start3A_32 = tpu.memref_slice %arg4[%add3A_28, %dma_start3A_31] : memref<2560x128xi32, #tpu.memory_space<hbm>> -> memref<1x128xi32, #tpu.memory_space<hbm>>
    tpu.enqueue_dma source(%dma_start3A_32 : memref<1x128xi32, #tpu.memory_space<hbm>>) target(%arg7 : memref<1x128xi32, #tpu.memory_space<vmem>>) target_semaphore(%arg14 : memref<!tpu.dma_semaphore, #tpu.memory_space<semaphore_mem>>)
    %add3A_33 = arith.constant 1 : i32
    %add3A_34 = arith.addi %mul3A_2, %add3A_33 : i32
    %dma_start3A_35 = arith.constant 0 : i32
    %dma_start3A_36 = tpu.memref_slice %arg3[%add3A_34, %dma_start3A_35] : memref<2560x128xi32, #tpu.memory_space<hbm>> -> memref<1x128xi32, #tpu.memory_space<hbm>>
    %dma_start3A_37 = arith.constant 0 : i32
    %dma_start3A_38 = tpu.memref_slice %arg3[%add3A_34, %dma_start3A_37] : memref<2560x128xi32, #tpu.memory_space<hbm>> -> memref<1x128xi32, #tpu.memory_space<hbm>>
    tpu.enqueue_dma source(%dma_start3A_38 : memref<1x128xi32, #tpu.memory_space<hbm>>) target(%arg8 : memref<1x128xi32, #tpu.memory_space<vmem>>) target_semaphore(%arg15 : memref<!tpu.dma_semaphore, #tpu.memory_space<semaphore_mem>>)
    %add3A_39 = arith.constant 1 : i32
    %add3A_40 = arith.addi %mul3A_2, %add3A_39 : i32
    %dma_start3A_41 = arith.constant 0 : i32
    %dma_start3A_42 = tpu.memref_slice %arg4[%add3A_40, %dma_start3A_41] : memref<2560x128xi32, #tpu.memory_space<hbm>> -> memref<1x128xi32, #tpu.memory_space<hbm>>
    %dma_start3A_43 = arith.constant 0 : i32
    %dma_start3A_44 = tpu.memref_slice %arg4[%add3A_40, %dma_start3A_43] : memref<2560x128xi32, #tpu.memory_space<hbm>> -> memref<1x128xi32, #tpu.memory_space<hbm>>
    tpu.enqueue_dma source(%dma_start3A_44 : memref<1x128xi32, #tpu.memory_space<hbm>>) target(%arg9 : memref<1x128xi32, #tpu.memory_space<vmem>>) target_semaphore(%arg15 : memref<!tpu.dma_semaphore, #tpu.memory_space<semaphore_mem>>)
    %dma_wait3A = arith.constant 0 : i32
    %dma_wait3A_45 = tpu.memref_slice %arg3[%mul3A_2, %dma_wait3A] : memref<2560x128xi32, #tpu.memory_space<hbm>> -> memref<1x128xi32, #tpu.memory_space<hbm>>
    %dma_wait3A_46 = arith.constant 0 : i32
    %dma_wait3A_47 = tpu.memref_slice %arg3[%mul3A_2, %dma_wait3A_46] : memref<2560x128xi32, #tpu.memory_space<hbm>> -> memref<1x128xi32, #tpu.memory_space<hbm>>
    tpu.wait_dma2 semaphore(%arg14 : memref<!tpu.dma_semaphore, #tpu.memory_space<semaphore_mem>>) src(%dma_wait3A_47 : memref<1x128xi32, #tpu.memory_space<hbm>>) dst(%arg6 : memref<1x128xi32, #tpu.memory_space<vmem>>)
    %dma_wait3A_48 = arith.constant 0 : i32
    %dma_wait3A_49 = tpu.memref_slice %arg4[%mul3A_2, %dma_wait3A_48] : memref<2560x128xi32, #tpu.memory_space<hbm>> -> memref<1x128xi32, #tpu.memory_space<hbm>>
    %dma_wait3A_50 = arith.constant 0 : i32
    %dma_wait3A_51 = tpu.memref_slice %arg4[%mul3A_2, %dma_wait3A_50] : memref<2560x128xi32, #tpu.memory_space<hbm>> -> memref<1x128xi32, #tpu.memory_space<hbm>>
    tpu.wait_dma2 semaphore(%arg14 : memref<!tpu.dma_semaphore, #tpu.memory_space<semaphore_mem>>) src(%dma_wait3A_51 : memref<1x128xi32, #tpu.memory_space<hbm>>) dst(%arg7 : memref<1x128xi32, #tpu.memory_space<vmem>>)
    %dma_start3A_52 = arith.constant 0 : i32
    %dma_start3A_53 = arith.constant 0 : i32
    %dma_start3A_54 = tpu.memref_slice %arg6[%dma_start3A_52, %dma_start3A_53] : memref<1x128xi32, #tpu.memory_space<vmem>> -> memref<1x128xi32, #tpu.memory_space<vmem>>
    %dma_start3A_55 = tpu.memref_squeeze %dma_start3A_54 : memref<1x128xi32, #tpu.memory_space<vmem>> -> memref<128xi32, #tpu.memory_space<vmem>>
    %dma_start3A_56 = arith.constant 0 : i32
    %dma_start3A_57 = arith.constant 0 : i32
    %dma_start3A_58 = tpu.memref_slice %arg2[%dma_start3A_56, %dma_start3A_57] : memref<10000x128xf32, #tpu.memory_space<hbm>> -> memref<10000x128xf32, #tpu.memory_space<hbm>>
    tpu.enqueue_indirect_dma source(%dma_start3A_58 : memref<10000x128xf32, #tpu.memory_space<hbm>>) target(%arg10 : memref<128x128xf32, #tpu.memory_space<vmem>>) offsets(%dma_start3A_55 : memref<128xi32, #tpu.memory_space<vmem>>) semaphore(%arg16 : memref<!tpu.dma_semaphore, #tpu.memory_space<semaphore_mem>>)
    %scan3A_59 = arith.constant 0 : i32
    %scan3A_60 = arith.constant 40 : i32
    %scan3A_61 = arith.addi %scan3A_59, %scan3A_60 : i32
    %scan3A_62 = arith.constant 1 : i32
    scf.for %scan3A_83 = %scan3A_59 to %scan3A_61 step %scan3A_62  : i32 {
      %mul3A_84 = arith.constant 1 : i32
      %mul3A_85 = arith.muli %scan3A_83, %mul3A_84 : i32
      %add3A_86 = arith.constant 0 : i32
      %add3A_87 = arith.addi %add3A_86, %mul3A_85 : i32
      %dma_wait3A_88 = arith.constant 0 : i32
      %dma_wait3A_89 = arith.constant 0 : i32
      %dma_wait3A_90 = tpu.memref_slice %arg6[%dma_wait3A_88, %dma_wait3A_89] : memref<1x128xi32, #tpu.memory_space<vmem>> -> memref<1x128xi32, #tpu.memory_space<vmem>>
      %dma_wait3A_91 = tpu.memref_squeeze %dma_wait3A_90 : memref<1x128xi32, #tpu.memory_space<vmem>> -> memref<128xi32, #tpu.memory_space<vmem>>
      %dma_wait3A_92 = arith.constant 0 : i32
      %dma_wait3A_93 = arith.constant 0 : i32
      %dma_wait3A_94 = tpu.memref_slice %arg2[%dma_wait3A_92, %dma_wait3A_93] : memref<10000x128xf32, #tpu.memory_space<hbm>> -> memref<10000x128xf32, #tpu.memory_space<hbm>>
      tpu.wait_indirect_dma semaphore(%arg16 : memref<!tpu.dma_semaphore, #tpu.memory_space<semaphore_mem>>) src(%dma_wait3A_94 : memref<10000x128xf32, #tpu.memory_space<hbm>>) dst(%arg10 : memref<128x128xf32, #tpu.memory_space<vmem>>)
      %dma_wait3A_95 = arith.constant 0 : i32
      %dma_wait3A_96 = tpu.memref_slice %arg3[%mul3A_2, %dma_wait3A_95] : memref<2560x128xi32, #tpu.memory_space<hbm>> -> memref<1x128xi32, #tpu.memory_space<hbm>>
      %dma_wait3A_97 = arith.constant 0 : i32
      %dma_wait3A_98 = tpu.memref_slice %arg3[%mul3A_2, %dma_wait3A_97] : memref<2560x128xi32, #tpu.memory_space<hbm>> -> memref<1x128xi32, #tpu.memory_space<hbm>>
      tpu.wait_dma2 semaphore(%arg15 : memref<!tpu.dma_semaphore, #tpu.memory_space<semaphore_mem>>) src(%dma_wait3A_98 : memref<1x128xi32, #tpu.memory_space<hbm>>) dst(%arg8 : memref<1x128xi32, #tpu.memory_space<vmem>>)
      %dma_wait3A_99 = arith.constant 0 : i32
      %dma_wait3A_100 = tpu.memref_slice %arg4[%mul3A_2, %dma_wait3A_99] : memref<2560x128xi32, #tpu.memory_space<hbm>> -> memref<1x128xi32, #tpu.memory_space<hbm>>
      %dma_wait3A_101 = arith.constant 0 : i32
      %dma_wait3A_102 = tpu.memref_slice %arg4[%mul3A_2, %dma_wait3A_101] : memref<2560x128xi32, #tpu.memory_space<hbm>> -> memref<1x128xi32, #tpu.memory_space<hbm>>
      tpu.wait_dma2 semaphore(%arg15 : memref<!tpu.dma_semaphore, #tpu.memory_space<semaphore_mem>>) src(%dma_wait3A_102 : memref<1x128xi32, #tpu.memory_space<hbm>>) dst(%arg9 : memref<1x128xi32, #tpu.memory_space<vmem>>)
      %dma_start3A_103 = arith.constant 0 : i32
      %dma_start3A_104 = arith.constant 0 : i32
      %dma_start3A_105 = tpu.memref_slice %arg8[%dma_start3A_103, %dma_start3A_104] : memref<1x128xi32, #tpu.memory_space<vmem>> -> memref<1x128xi32, #tpu.memory_space<vmem>>
      %dma_start3A_106 = tpu.memref_squeeze %dma_start3A_105 : memref<1x128xi32, #tpu.memory_space<vmem>> -> memref<128xi32, #tpu.memory_space<vmem>>
      %dma_start3A_107 = arith.constant 0 : i32
      %dma_start3A_108 = arith.constant 0 : i32
      %dma_start3A_109 = tpu.memref_slice %arg2[%dma_start3A_107, %dma_start3A_108] : memref<10000x128xf32, #tpu.memory_space<hbm>> -> memref<10000x128xf32, #tpu.memory_space<hbm>>
      tpu.enqueue_indirect_dma source(%dma_start3A_109 : memref<10000x128xf32, #tpu.memory_space<hbm>>) target(%arg11 : memref<128x128xf32, #tpu.memory_space<vmem>>) offsets(%dma_start3A_106 : memref<128xi32, #tpu.memory_space<vmem>>) semaphore(%arg17 : memref<!tpu.dma_semaphore, #tpu.memory_space<semaphore_mem>>)
      %run_scoped3A = arith.constant 0 : i32
      "tpu.region"() ({
        %run_scoped3A_130 = tpu.sem_alloc : memref<!tpu.dma_semaphore, #tpu.memory_space<semaphore_mem>>
        %dma_start3A_131 = arith.constant 0 : i32
        %dma_start3A_132 = tpu.memref_slice %arg7[%run_scoped3A, %dma_start3A_131] : memref<1x128xi32, #tpu.memory_space<vmem>> -> memref<1x128xi32, #tpu.memory_space<vmem>>
        %dma_start3A_133 = tpu.memref_squeeze %dma_start3A_132 : memref<1x128xi32, #tpu.memory_space<vmem>> -> memref<128xi32, #tpu.memory_space<vmem>>
        %dma_start3A_134 = arith.constant 0 : i32
        %dma_start3A_135 = arith.constant 0 : i32
        %dma_start3A_136 = tpu.memref_slice %arg13[%dma_start3A_134, %dma_start3A_135] : memref<10080x128xf32, #tpu.memory_space<vmem_shared>> -> memref<10080x128xf32, #tpu.memory_space<vmem_shared>>
        tpu.enqueue_indirect_dma source(%arg10 : memref<128x128xf32, #tpu.memory_space<vmem>>) target(%dma_start3A_136 : memref<10080x128xf32, #tpu.memory_space<vmem_shared>>) offsets(%dma_start3A_133 : memref<128xi32, #tpu.memory_space<vmem>>) semaphore(%run_scoped3A_130 : memref<!tpu.dma_semaphore, #tpu.memory_space<semaphore_mem>>) {add = true}
        %dma_wait3A_137 = arith.constant 0 : i32
        %dma_wait3A_138 = tpu.memref_slice %arg7[%run_scoped3A, %dma_wait3A_137] : memref<1x128xi32, #tpu.memory_space<vmem>> -> memref<1x128xi32, #tpu.memory_space<vmem>>
        %dma_wait3A_139 = tpu.memref_squeeze %dma_wait3A_138 : memref<1x128xi32, #tpu.memory_space<vmem>> -> memref<128xi32, #tpu.memory_space<vmem>>
        %dma_wait3A_140 = arith.constant 0 : i32
        %dma_wait3A_141 = arith.constant 0 : i32
        %dma_wait3A_142 = tpu.memref_slice %arg13[%dma_wait3A_140, %dma_wait3A_141] : memref<10080x128xf32, #tpu.memory_space<vmem_shared>> -> memref<10080x128xf32, #tpu.memory_space<vmem_shared>>
        tpu.wait_indirect_dma semaphore(%run_scoped3A_130 : memref<!tpu.dma_semaphore, #tpu.memory_space<semaphore_mem>>) src(%arg10 : memref<128x128xf32, #tpu.memory_space<vmem>>) dst(%dma_wait3A_142 : memref<10080x128xf32, #tpu.memory_space<vmem_shared>>)
        tpu.yield
      }) : () -> ()
      %lt3A = arith.constant 39 : i32
      %lt3A_110 = arith.cmpi slt, %add3A_87, %lt3A : i32
      %convert_element_type3A = arith.extui %lt3A_110 : i1 to i32
      %cond3A = arith.constant 0 : i32
      %cond3A_111 = arith.cmpi ne, %convert_element_type3A, %cond3A : i32
      scf.if %cond3A_111 {
        %mul3A_130 = arith.constant 2 : i32
        %mul3A_131 = arith.muli %mul3A_130, %add3A_87 : i32
        %add3A_132 = arith.constant 2 : i32
        %add3A_133 = arith.addi %mul3A_131, %add3A_132 : i32
        %add3A_134 = arith.addi %mul3A_2, %add3A_133 : i32
        %dma_start3A_135 = arith.constant 0 : i32
        %dma_start3A_136 = tpu.memref_slice %arg3[%add3A_134, %dma_start3A_135] : memref<2560x128xi32, #tpu.memory_space<hbm>> -> memref<1x128xi32, #tpu.memory_space<hbm>>
        %dma_start3A_137 = arith.constant 0 : i32
        %dma_start3A_138 = tpu.memref_slice %arg3[%add3A_134, %dma_start3A_137] : memref<2560x128xi32, #tpu.memory_space<hbm>> -> memref<1x128xi32, #tpu.memory_space<hbm>>
        tpu.enqueue_dma source(%dma_start3A_138 : memref<1x128xi32, #tpu.memory_space<hbm>>) target(%arg6 : memref<1x128xi32, #tpu.memory_space<vmem>>) target_semaphore(%arg14 : memref<!tpu.dma_semaphore, #tpu.memory_space<semaphore_mem>>)
        %add3A_139 = arith.addi %mul3A_2, %add3A_133 : i32
        %dma_start3A_140 = arith.constant 0 : i32
        %dma_start3A_141 = tpu.memref_slice %arg4[%add3A_139, %dma_start3A_140] : memref<2560x128xi32, #tpu.memory_space<hbm>> -> memref<1x128xi32, #tpu.memory_space<hbm>>
        %dma_start3A_142 = arith.constant 0 : i32
        %dma_start3A_143 = tpu.memref_slice %arg4[%add3A_139, %dma_start3A_142] : memref<2560x128xi32, #tpu.memory_space<hbm>> -> memref<1x128xi32, #tpu.memory_space<hbm>>
        tpu.enqueue_dma source(%dma_start3A_143 : memref<1x128xi32, #tpu.memory_space<hbm>>) target(%arg7 : memref<1x128xi32, #tpu.memory_space<vmem>>) target_semaphore(%arg14 : memref<!tpu.dma_semaphore, #tpu.memory_space<semaphore_mem>>)
      } else {
      }
      %dma_wait3A_112 = arith.constant 0 : i32
      %dma_wait3A_113 = arith.constant 0 : i32
      %dma_wait3A_114 = tpu.memref_slice %arg8[%dma_wait3A_112, %dma_wait3A_113] : memref<1x128xi32, #tpu.memory_space<vmem>> -> memref<1x128xi32, #tpu.memory_space<vmem>>
      %dma_wait3A_115 = tpu.memref_squeeze %dma_wait3A_114 : memref<1x128xi32, #tpu.memory_space<vmem>> -> memref<128xi32, #tpu.memory_space<vmem>>
      %dma_wait3A_116 = arith.constant 0 : i32
      %dma_wait3A_117 = arith.constant 0 : i32
      %dma_wait3A_118 = tpu.memref_slice %arg2[%dma_wait3A_116, %dma_wait3A_117] : memref<10000x128xf32, #tpu.memory_space<hbm>> -> memref<10000x128xf32, #tpu.memory_space<hbm>>
      tpu.wait_indirect_dma semaphore(%arg17 : memref<!tpu.dma_semaphore, #tpu.memory_space<semaphore_mem>>) src(%dma_wait3A_118 : memref<10000x128xf32, #tpu.memory_space<hbm>>) dst(%arg11 : memref<128x128xf32, #tpu.memory_space<vmem>>)
      %lt3A_119 = arith.constant 39 : i32
      %lt3A_120 = arith.cmpi slt, %add3A_87, %lt3A_119 : i32
      %convert_element_type3A_121 = arith.extui %lt3A_120 : i1 to i32
      %cond3A_122 = arith.constant 0 : i32
      %cond3A_123 = arith.cmpi ne, %convert_element_type3A_121, %cond3A_122 : i32
      scf.if %cond3A_123 {
        %dma_wait3A_130 = arith.constant 0 : i32
        %dma_wait3A_131 = tpu.memref_slice %arg3[%mul3A_2, %dma_wait3A_130] : memref<2560x128xi32, #tpu.memory_space<hbm>> -> memref<1x128xi32, #tpu.memory_space<hbm>>
        %dma_wait3A_132 = arith.constant 0 : i32
        %dma_wait3A_133 = tpu.memref_slice %arg3[%mul3A_2, %dma_wait3A_132] : memref<2560x128xi32, #tpu.memory_space<hbm>> -> memref<1x128xi32, #tpu.memory_space<hbm>>
        tpu.wait_dma2 semaphore(%arg14 : memref<!tpu.dma_semaphore, #tpu.memory_space<semaphore_mem>>) src(%dma_wait3A_133 : memref<1x128xi32, #tpu.memory_space<hbm>>) dst(%arg6 : memref<1x128xi32, #tpu.memory_space<vmem>>)
        %dma_wait3A_134 = arith.constant 0 : i32
        %dma_wait3A_135 = tpu.memref_slice %arg4[%mul3A_2, %dma_wait3A_134] : memref<2560x128xi32, #tpu.memory_space<hbm>> -> memref<1x128xi32, #tpu.memory_space<hbm>>
        %dma_wait3A_136 = arith.constant 0 : i32
        %dma_wait3A_137 = tpu.memref_slice %arg4[%mul3A_2, %dma_wait3A_136] : memref<2560x128xi32, #tpu.memory_space<hbm>> -> memref<1x128xi32, #tpu.memory_space<hbm>>
        tpu.wait_dma2 semaphore(%arg14 : memref<!tpu.dma_semaphore, #tpu.memory_space<semaphore_mem>>) src(%dma_wait3A_137 : memref<1x128xi32, #tpu.memory_space<hbm>>) dst(%arg7 : memref<1x128xi32, #tpu.memory_space<vmem>>)
        %dma_start3A_138 = arith.constant 0 : i32
        %dma_start3A_139 = arith.constant 0 : i32
        %dma_start3A_140 = tpu.memref_slice %arg6[%dma_start3A_138, %dma_start3A_139] : memref<1x128xi32, #tpu.memory_space<vmem>> -> memref<1x128xi32, #tpu.memory_space<vmem>>
        %dma_start3A_141 = tpu.memref_squeeze %dma_start3A_140 : memref<1x128xi32, #tpu.memory_space<vmem>> -> memref<128xi32, #tpu.memory_space<vmem>>
        %dma_start3A_142 = arith.constant 0 : i32
        %dma_start3A_143 = arith.constant 0 : i32
        %dma_start3A_144 = tpu.memref_slice %arg2[%dma_start3A_142, %dma_start3A_143] : memref<10000x128xf32, #tpu.memory_space<hbm>> -> memref<10000x128xf32, #tpu.memory_space<hbm>>
        tpu.enqueue_indirect_dma source(%dma_start3A_144 : memref<10000x128xf32, #tpu.memory_space<hbm>>) target(%arg10 : memref<128x128xf32, #tpu.memory_space<vmem>>) offsets(%dma_start3A_141 : memref<128xi32, #tpu.memory_space<vmem>>) semaphore(%arg16 : memref<!tpu.dma_semaphore, #tpu.memory_space<semaphore_mem>>)
      } else {
      }
      %run_scoped3A_124 = arith.constant 0 : i32
      "tpu.region"() ({
        %run_scoped3A_130 = tpu.sem_alloc : memref<!tpu.dma_semaphore, #tpu.memory_space<semaphore_mem>>
        %dma_start3A_131 = arith.constant 0 : i32
        %dma_start3A_132 = tpu.memref_slice %arg9[%run_scoped3A_124, %dma_start3A_131] : memref<1x128xi32, #tpu.memory_space<vmem>> -> memref<1x128xi32, #tpu.memory_space<vmem>>
        %dma_start3A_133 = tpu.memref_squeeze %dma_start3A_132 : memref<1x128xi32, #tpu.memory_space<vmem>> -> memref<128xi32, #tpu.memory_space<vmem>>
        %dma_start3A_134 = arith.constant 0 : i32
        %dma_start3A_135 = arith.constant 0 : i32
        %dma_start3A_136 = tpu.memref_slice %arg13[%dma_start3A_134, %dma_start3A_135] : memref<10080x128xf32, #tpu.memory_space<vmem_shared>> -> memref<10080x128xf32, #tpu.memory_space<vmem_shared>>
        tpu.enqueue_indirect_dma source(%arg11 : memref<128x128xf32, #tpu.memory_space<vmem>>) target(%dma_start3A_136 : memref<10080x128xf32, #tpu.memory_space<vmem_shared>>) offsets(%dma_start3A_133 : memref<128xi32, #tpu.memory_space<vmem>>) semaphore(%run_scoped3A_130 : memref<!tpu.dma_semaphore, #tpu.memory_space<semaphore_mem>>) {add = true}
        %dma_wait3A_137 = arith.constant 0 : i32
        %dma_wait3A_138 = tpu.memref_slice %arg9[%run_scoped3A_124, %dma_wait3A_137] : memref<1x128xi32, #tpu.memory_space<vmem>> -> memref<1x128xi32, #tpu.memory_space<vmem>>
        %dma_wait3A_139 = tpu.memref_squeeze %dma_wait3A_138 : memref<1x128xi32, #tpu.memory_space<vmem>> -> memref<128xi32, #tpu.memory_space<vmem>>
        %dma_wait3A_140 = arith.constant 0 : i32
        %dma_wait3A_141 = arith.constant 0 : i32
        %dma_wait3A_142 = tpu.memref_slice %arg13[%dma_wait3A_140, %dma_wait3A_141] : memref<10080x128xf32, #tpu.memory_space<vmem_shared>> -> memref<10080x128xf32, #tpu.memory_space<vmem_shared>>
        tpu.wait_indirect_dma semaphore(%run_scoped3A_130 : memref<!tpu.dma_semaphore, #tpu.memory_space<semaphore_mem>>) src(%arg11 : memref<128x128xf32, #tpu.memory_space<vmem>>) dst(%dma_wait3A_142 : memref<10080x128xf32, #tpu.memory_space<vmem_shared>>)
        tpu.yield
      }) : () -> ()
      %lt3A_125 = arith.constant 39 : i32
      %lt3A_126 = arith.cmpi slt, %add3A_87, %lt3A_125 : i32
      %convert_element_type3A_127 = arith.extui %lt3A_126 : i1 to i32
      %cond3A_128 = arith.constant 0 : i32
      %cond3A_129 = arith.cmpi ne, %convert_element_type3A_127, %cond3A_128 : i32
      scf.if %cond3A_129 {
        %mul3A_130 = arith.constant 2 : i32
        %mul3A_131 = arith.muli %mul3A_130, %add3A_87 : i32
        %add3A_132 = arith.constant 3 : i32
        %add3A_133 = arith.addi %mul3A_131, %add3A_132 : i32
        %add3A_134 = arith.addi %mul3A_2, %add3A_133 : i32
        %dma_start3A_135 = arith.constant 0 : i32
        %dma_start3A_136 = tpu.memref_slice %arg3[%add3A_134, %dma_start3A_135] : memref<2560x128xi32, #tpu.memory_space<hbm>> -> memref<1x128xi32, #tpu.memory_space<hbm>>
        %dma_start3A_137 = arith.constant 0 : i32
        %dma_start3A_138 = tpu.memref_slice %arg3[%add3A_134, %dma_start3A_137] : memref<2560x128xi32, #tpu.memory_space<hbm>> -> memref<1x128xi32, #tpu.memory_space<hbm>>
        tpu.enqueue_dma source(%dma_start3A_138 : memref<1x128xi32, #tpu.memory_space<hbm>>) target(%arg8 : memref<1x128xi32, #tpu.memory_space<vmem>>) target_semaphore(%arg15 : memref<!tpu.dma_semaphore, #tpu.memory_space<semaphore_mem>>)
        %add3A_139 = arith.addi %mul3A_2, %add3A_133 : i32
        %dma_start3A_140 = arith.constant 0 : i32
        %dma_start3A_141 = tpu.memref_slice %arg4[%add3A_139, %dma_start3A_140] : memref<2560x128xi32, #tpu.memory_space<hbm>> -> memref<1x128xi32, #tpu.memory_space<hbm>>
        %dma_start3A_142 = arith.constant 0 : i32
        %dma_start3A_143 = tpu.memref_slice %arg4[%add3A_139, %dma_start3A_142] : memref<2560x128xi32, #tpu.memory_space<hbm>> -> memref<1x128xi32, #tpu.memory_space<hbm>>
        tpu.enqueue_dma source(%dma_start3A_143 : memref<1x128xi32, #tpu.memory_space<hbm>>) target(%arg9 : memref<1x128xi32, #tpu.memory_space<vmem>>) target_semaphore(%arg15 : memref<!tpu.dma_semaphore, #tpu.memory_space<semaphore_mem>>)
      } else {
      }
    }
    %scan3A_63 = arith.constant 40 : i32
    %barrier3A_64 = arith.constant 0 : index
    tpu.barrier barrier_id(%barrier3A_64)
    %sub3A_65 = arith.constant 126 : i32
    %sub3A_66 = arith.subi %sub3A_65, %arg1 : i32
    %sub3A_67 = arith.constant 16 : i32
    %sub3A_68 = arith.constant 1 : i32
    %sub3A_69 = arith.subi %sub3A_67, %sub3A_68 : i32
    %add3A_70 = arith.addi %sub3A_66, %sub3A_69 : i32
    %div3A_71 = arith.constant 16 : i32
    %div3A_72 = arith.divsi %add3A_70, %div3A_71 : i32
    %while3A_73 = arith.constant 16 : i32
    %while3A_74 = arith.constant 0 : i32
    %while3A_75 = arith.subi %div3A_72, %while3A_74 : i32
    %while3A_76 = arith.addi %while3A_74, %while3A_75 : i32
    %while3A_77 = arith.constant 1 : i32
    %while3A_78 = arith.divsi %while3A_75, %while3A_77 : i32
    %while3A_79 = arith.muli %while3A_78, %while3A_77 : i32
    %while3A_80 = arith.addi %while3A_74, %while3A_79 : i32
    %while3A_81 = arith.constant 1 : i32
    scf.for %while3A_83 = %while3A_74 to %while3A_80 step %while3A_81  : i32 {
      %mul3A_84 = arith.muli %while3A_83, %while3A_73 : i32
      %add3A_85 = arith.addi %arg1, %mul3A_84 : i32
      %mul3A_86 = arith.constant 80 : i32
      %mul3A_87 = arith.muli %add3A_85, %mul3A_86 : i32
      %mul3A_88 = arith.constant 80 : i32
      %mul3A_89 = arith.muli %add3A_85, %mul3A_88 : i32
      "tpu.region"() ({
        %run_scoped3A = tpu.sem_alloc : memref<!tpu.dma_semaphore, #tpu.memory_space<semaphore_mem>>
        %dma_start3A_90 = arith.constant 0 : i32
        %dma_start3A_91 = arith.constant 0 : i32
        %dma_start3A_92 = tpu.memref_slice %arg5[%arg0, %dma_start3A_90, %dma_start3A_91] : memref<2x10080x128xf32, #tpu.memory_space<hbm>> -> memref<1x10080x128xf32, #tpu.memory_space<hbm>>
        %dma_start3A_93 = tpu.memref_squeeze %dma_start3A_92 : memref<1x10080x128xf32, #tpu.memory_space<hbm>> -> memref<10080x128xf32, #tpu.memory_space<hbm>>
        %dma_start3A_94 = arith.constant 0 : i32
        %dma_start3A_95 = tpu.memref_slice %dma_start3A_93[%mul3A_89, %dma_start3A_94] : memref<10080x128xf32, #tpu.memory_space<hbm>> -> memref<80x128xf32, #tpu.memory_space<hbm>>
        %dma_start3A_96 = arith.constant 0 : i32
        %dma_start3A_97 = tpu.memref_slice %arg13[%mul3A_87, %dma_start3A_96] : memref<10080x128xf32, #tpu.memory_space<vmem_shared>> -> memref<80x128xf32, #tpu.memory_space<vmem_shared>>
        tpu.enqueue_dma source(%dma_start3A_97 : memref<80x128xf32, #tpu.memory_space<vmem_shared>>) target(%dma_start3A_95 : memref<80x128xf32, #tpu.memory_space<hbm>>) target_semaphore(%run_scoped3A : memref<!tpu.dma_semaphore, #tpu.memory_space<semaphore_mem>>)
        %dma_wait3A_98 = arith.constant 0 : i32
        %dma_wait3A_99 = arith.constant 0 : i32
        %dma_wait3A_100 = tpu.memref_slice %arg5[%arg0, %dma_wait3A_98, %dma_wait3A_99] : memref<2x10080x128xf32, #tpu.memory_space<hbm>> -> memref<1x10080x128xf32, #tpu.memory_space<hbm>>
        %dma_wait3A_101 = tpu.memref_squeeze %dma_wait3A_100 : memref<1x10080x128xf32, #tpu.memory_space<hbm>> -> memref<10080x128xf32, #tpu.memory_space<hbm>>
        %dma_wait3A_102 = arith.constant 0 : i32
        %dma_wait3A_103 = tpu.memref_slice %dma_wait3A_101[%mul3A_89, %dma_wait3A_102] : memref<10080x128xf32, #tpu.memory_space<hbm>> -> memref<80x128xf32, #tpu.memory_space<hbm>>
        %dma_wait3A_104 = arith.constant 0 : i32
        %dma_wait3A_105 = tpu.memref_slice %arg13[%mul3A_87, %dma_wait3A_104] : memref<10080x128xf32, #tpu.memory_space<vmem_shared>> -> memref<80x128xf32, #tpu.memory_space<vmem_shared>>
        tpu.wait_dma2 semaphore(%run_scoped3A : memref<!tpu.dma_semaphore, #tpu.memory_space<semaphore_mem>>) src(%dma_wait3A_105 : memref<80x128xf32, #tpu.memory_space<vmem_shared>>) dst(%dma_wait3A_103 : memref<80x128xf32, #tpu.memory_space<hbm>>)
        tpu.yield
      }) : () -> ()
    }
    %while3A_82 = arith.constant 1 : i32
    scf.for %while3A_83 = %while3A_80 to %while3A_76 step %while3A_82  : i32 {
      %mul3A_84 = arith.muli %while3A_83, %while3A_73 : i32
      %add3A_85 = arith.addi %arg1, %mul3A_84 : i32
      %mul3A_86 = arith.constant 80 : i32
      %mul3A_87 = arith.muli %add3A_85, %mul3A_86 : i32
      %mul3A_88 = arith.constant 80 : i32
      %mul3A_89 = arith.muli %add3A_85, %mul3A_88 : i32
      "tpu.region"() ({
        %run_scoped3A = tpu.sem_alloc : memref<!tpu.dma_semaphore, #tpu.memory_space<semaphore_mem>>
        %dma_start3A_90 = arith.constant 0 : i32
        %dma_start3A_91 = arith.constant 0 : i32
        %dma_start3A_92 = tpu.memref_slice %arg5[%arg0, %dma_start3A_90, %dma_start3A_91] : memref<2x10080x128xf32, #tpu.memory_space<hbm>> -> memref<1x10080x128xf32, #tpu.memory_space<hbm>>
        %dma_start3A_93 = tpu.memref_squeeze %dma_start3A_92 : memref<1x10080x128xf32, #tpu.memory_space<hbm>> -> memref<10080x128xf32, #tpu.memory_space<hbm>>
        %dma_start3A_94 = arith.constant 0 : i32
        %dma_start3A_95 = tpu.memref_slice %dma_start3A_93[%mul3A_89, %dma_start3A_94] : memref<10080x128xf32, #tpu.memory_space<hbm>> -> memref<80x128xf32, #tpu.memory_space<hbm>>
        %dma_start3A_96 = arith.constant 0 : i32
        %dma_start3A_97 = tpu.memref_slice %arg13[%mul3A_87, %dma_start3A_96] : memref<10080x128xf32, #tpu.memory_space<vmem_shared>> -> memref<80x128xf32, #tpu.memory_space<vmem_shared>>
        tpu.enqueue_dma source(%dma_start3A_97 : memref<80x128xf32, #tpu.memory_space<vmem_shared>>) target(%dma_start3A_95 : memref<80x128xf32, #tpu.memory_space<hbm>>) target_semaphore(%run_scoped3A : memref<!tpu.dma_semaphore, #tpu.memory_space<semaphore_mem>>)
        %dma_wait3A_98 = arith.constant 0 : i32
        %dma_wait3A_99 = arith.constant 0 : i32
        %dma_wait3A_100 = tpu.memref_slice %arg5[%arg0, %dma_wait3A_98, %dma_wait3A_99] : memref<2x10080x128xf32, #tpu.memory_space<hbm>> -> memref<1x10080x128xf32, #tpu.memory_space<hbm>>
        %dma_wait3A_101 = tpu.memref_squeeze %dma_wait3A_100 : memref<1x10080x128xf32, #tpu.memory_space<hbm>> -> memref<10080x128xf32, #tpu.memory_space<hbm>>
        %dma_wait3A_102 = arith.constant 0 : i32
        %dma_wait3A_103 = tpu.memref_slice %dma_wait3A_101[%mul3A_89, %dma_wait3A_102] : memref<10080x128xf32, #tpu.memory_space<hbm>> -> memref<80x128xf32, #tpu.memory_space<hbm>>
        %dma_wait3A_104 = arith.constant 0 : i32
        %dma_wait3A_105 = tpu.memref_slice %arg13[%mul3A_87, %dma_wait3A_104] : memref<10080x128xf32, #tpu.memory_space<vmem_shared>> -> memref<80x128xf32, #tpu.memory_space<vmem_shared>>
        tpu.wait_dma2 semaphore(%run_scoped3A : memref<!tpu.dma_semaphore, #tpu.memory_space<semaphore_mem>>) src(%dma_wait3A_105 : memref<80x128xf32, #tpu.memory_space<vmem_shared>>) dst(%dma_wait3A_103 : memref<80x128xf32, #tpu.memory_space<hbm>>)
        tpu.yield
      }) : () -> ()
    }
    return
  }
}

#map = affine_map<(d0, d1) -> (0, 0)>
#map1 = affine_map<(d0, d1) -> (0, 0, 0)>
module attributes {stable_mosaic.version = 14 : i64} {
  func.func @_sc_prop(%arg0: i32, %arg1: i32, %arg2: memref<10000x16xf32, #tpu.memory_space<hbm>>, %arg3: memref<2560x128xi32, #tpu.memory_space<hbm>>, %arg4: memref<2560x128xi32, #tpu.memory_space<hbm>>, %arg5: memref<2x10080x16xf32, #tpu.memory_space<hbm>>, %arg6: memref<1x128xi32, #tpu.memory_space<vmem>>, %arg7: memref<1x128xi32, #tpu.memory_space<vmem>>, %arg8: memref<1x128xi32, #tpu.memory_space<vmem>>, %arg9: memref<1x128xi32, #tpu.memory_space<vmem>>, %arg10: memref<128x16xf32, #tpu.memory_space<vmem>>, %arg11: memref<128x16xf32, #tpu.memory_space<vmem>>, %arg12: memref<80x16xf32, #tpu.memory_space<vmem>>, %arg13: memref<10080x16xf32, #tpu.memory_space<vmem_shared>>, %arg14: memref<!tpu.dma_semaphore, #tpu.memory_space<semaphore_mem>>, %arg15: memref<!tpu.dma_semaphore, #tpu.memory_space<semaphore_mem>>, %arg16: memref<!tpu.dma_semaphore, #tpu.memory_space<semaphore_mem>>, %arg17: memref<!tpu.dma_semaphore, #tpu.memory_space<semaphore_mem>>) attributes {dimension_semantics = [#tpu.dimension_semantics<core_parallel>, #tpu.dimension_semantics<subcore_parallel>], iteration_bounds = array<i64: 2, 16>, scalar_prefetch = 0 : i64, scratch_operands = 12 : i64, tpu.core_type = #tpu.core_type<sc_vector_subcore>, window_params = [{transform_indices = #map}, {transform_indices = #map}, {transform_indices = #map}, {transform_indices = #map1}]} {
    %mul3A = arith.constant 2 : i32
    %mul3A_0 = arith.muli %arg1, %mul3A : i32
    %add3A = arith.addi %mul3A_0, %arg0 : i32
    %mul3A_1 = arith.constant 80 : i32
    %mul3A_2 = arith.muli %add3A, %mul3A_1 : i32
    %scan3A = arith.constant 0 : i32
    %scan3A_3 = arith.constant 80 : i32
    %scan3A_4 = arith.addi %scan3A, %scan3A_3 : i32
    %scan3A_5 = arith.constant 1 : i32
    scf.for %scan3A_83 = %scan3A to %scan3A_4 step %scan3A_5  : i32 {
      %mul3A_84 = arith.constant 1 : i32
      %mul3A_85 = arith.muli %scan3A_83, %mul3A_84 : i32
      %add3A_86 = arith.constant 0 : i32
      %add3A_87 = arith.addi %add3A_86, %mul3A_85 : i32
      %scan3A_88 = arith.constant 0 : i32
      %mul3A_89 = arith.constant 16 : i32
      %mul3A_90 = arith.muli %scan3A_88, %mul3A_89 : i32
      %add3A_91 = arith.constant 0 : i32
      %add3A_92 = arith.addi %add3A_91, %mul3A_90 : i32
      %broadcast_in_dim3A = arith.constant 0.000000e+00 : f32
      %broadcast_in_dim3A_93 = vector.broadcast %broadcast_in_dim3A : f32 to vector<16xf32>
      %swap3A = arith.index_cast %add3A_87 : i32 to index
      %swap3A_94 = arith.index_cast %add3A_92 : i32 to index
      %swap3A_95 = tpu.vector_load %arg12[%swap3A, %swap3A_94] {strides = array<i32>} : memref<80x16xf32, #tpu.memory_space<vmem>>, vector<1x16xf32>,
      %swap3A_96 = vector.shape_cast %swap3A_95 : vector<1x16xf32> to vector<16xf32>
      %swap3A_97 = vector.shape_cast %broadcast_in_dim3A_93 : vector<16xf32> to vector<1x16xf32>
      tpu.vector_store %arg12[%swap3A, %swap3A_94], %swap3A_97 {strides = array<i32>} : memref<80x16xf32, #tpu.memory_space<vmem>>, vector<1x16xf32>,
      %scan3A_98 = arith.constant 1 : i32
    }
    %scan3A_6 = arith.constant 80 : i32
    %sub3A = arith.constant 126 : i32
    %sub3A_7 = arith.subi %sub3A, %arg1 : i32
    %sub3A_8 = arith.constant 16 : i32
    %sub3A_9 = arith.constant 1 : i32
    %sub3A_10 = arith.subi %sub3A_8, %sub3A_9 : i32
    %add3A_11 = arith.addi %sub3A_7, %sub3A_10 : i32
    %div3A = arith.constant 16 : i32
    %div3A_12 = arith.divsi %add3A_11, %div3A : i32
    %while3A = arith.constant 16 : i32
    %while3A_13 = arith.constant 0 : i32
    %while3A_14 = arith.subi %div3A_12, %while3A_13 : i32
    %while3A_15 = arith.addi %while3A_13, %while3A_14 : i32
    %while3A_16 = arith.constant 1 : i32
    %while3A_17 = arith.divsi %while3A_14, %while3A_16 : i32
    %while3A_18 = arith.muli %while3A_17, %while3A_16 : i32
    %while3A_19 = arith.addi %while3A_13, %while3A_18 : i32
    %while3A_20 = arith.constant 1 : i32
    scf.for %while3A_83 = %while3A_13 to %while3A_19 step %while3A_20  : i32 {
      %mul3A_84 = arith.muli %while3A_83, %while3A : i32
      %add3A_85 = arith.addi %arg1, %mul3A_84 : i32
      %mul3A_86 = arith.constant 80 : i32
      %mul3A_87 = arith.muli %add3A_85, %mul3A_86 : i32
      "tpu.region"() ({
        %run_scoped3A = tpu.sem_alloc : memref<!tpu.dma_semaphore, #tpu.memory_space<semaphore_mem>>
        %dma_start3A_88 = arith.constant 0 : i32
        %dma_start3A_89 = tpu.memref_slice %arg13[%mul3A_87, %dma_start3A_88] : memref<10080x16xf32, #tpu.memory_space<vmem_shared>> -> memref<80x16xf32, #tpu.memory_space<vmem_shared>>
        %dma_start3A_90 = arith.constant 0 : i32
        %dma_start3A_91 = tpu.memref_slice %arg13[%mul3A_87, %dma_start3A_90] : memref<10080x16xf32, #tpu.memory_space<vmem_shared>> -> memref<80x16xf32, #tpu.memory_space<vmem_shared>>
        tpu.enqueue_dma source(%arg12 : memref<80x16xf32, #tpu.memory_space<vmem>>) target(%dma_start3A_91 : memref<80x16xf32, #tpu.memory_space<vmem_shared>>) target_semaphore(%run_scoped3A : memref<!tpu.dma_semaphore, #tpu.memory_space<semaphore_mem>>)
        %dma_wait3A_92 = arith.constant 0 : i32
        %dma_wait3A_93 = tpu.memref_slice %arg13[%mul3A_87, %dma_wait3A_92] : memref<10080x16xf32, #tpu.memory_space<vmem_shared>> -> memref<80x16xf32, #tpu.memory_space<vmem_shared>>
        %dma_wait3A_94 = arith.constant 0 : i32
        %dma_wait3A_95 = tpu.memref_slice %arg13[%mul3A_87, %dma_wait3A_94] : memref<10080x16xf32, #tpu.memory_space<vmem_shared>> -> memref<80x16xf32, #tpu.memory_space<vmem_shared>>
        tpu.wait_dma2 semaphore(%run_scoped3A : memref<!tpu.dma_semaphore, #tpu.memory_space<semaphore_mem>>) src(%arg12 : memref<80x16xf32, #tpu.memory_space<vmem>>) dst(%dma_wait3A_95 : memref<80x16xf32, #tpu.memory_space<vmem_shared>>)
        tpu.yield
      }) : () -> ()
    }
    %while3A_21 = arith.constant 1 : i32
    scf.for %while3A_83 = %while3A_19 to %while3A_15 step %while3A_21  : i32 {
      %mul3A_84 = arith.muli %while3A_83, %while3A : i32
      %add3A_85 = arith.addi %arg1, %mul3A_84 : i32
      %mul3A_86 = arith.constant 80 : i32
      %mul3A_87 = arith.muli %add3A_85, %mul3A_86 : i32
      "tpu.region"() ({
        %run_scoped3A = tpu.sem_alloc : memref<!tpu.dma_semaphore, #tpu.memory_space<semaphore_mem>>
        %dma_start3A_88 = arith.constant 0 : i32
        %dma_start3A_89 = tpu.memref_slice %arg13[%mul3A_87, %dma_start3A_88] : memref<10080x16xf32, #tpu.memory_space<vmem_shared>> -> memref<80x16xf32, #tpu.memory_space<vmem_shared>>
        %dma_start3A_90 = arith.constant 0 : i32
        %dma_start3A_91 = tpu.memref_slice %arg13[%mul3A_87, %dma_start3A_90] : memref<10080x16xf32, #tpu.memory_space<vmem_shared>> -> memref<80x16xf32, #tpu.memory_space<vmem_shared>>
        tpu.enqueue_dma source(%arg12 : memref<80x16xf32, #tpu.memory_space<vmem>>) target(%dma_start3A_91 : memref<80x16xf32, #tpu.memory_space<vmem_shared>>) target_semaphore(%run_scoped3A : memref<!tpu.dma_semaphore, #tpu.memory_space<semaphore_mem>>)
        %dma_wait3A_92 = arith.constant 0 : i32
        %dma_wait3A_93 = tpu.memref_slice %arg13[%mul3A_87, %dma_wait3A_92] : memref<10080x16xf32, #tpu.memory_space<vmem_shared>> -> memref<80x16xf32, #tpu.memory_space<vmem_shared>>
        %dma_wait3A_94 = arith.constant 0 : i32
        %dma_wait3A_95 = tpu.memref_slice %arg13[%mul3A_87, %dma_wait3A_94] : memref<10080x16xf32, #tpu.memory_space<vmem_shared>> -> memref<80x16xf32, #tpu.memory_space<vmem_shared>>
        tpu.wait_dma2 semaphore(%run_scoped3A : memref<!tpu.dma_semaphore, #tpu.memory_space<semaphore_mem>>) src(%arg12 : memref<80x16xf32, #tpu.memory_space<vmem>>) dst(%dma_wait3A_95 : memref<80x16xf32, #tpu.memory_space<vmem_shared>>)
        tpu.yield
      }) : () -> ()
    }
    %barrier3A = arith.constant 0 : index
    tpu.barrier barrier_id(%barrier3A)
    %add3A_22 = arith.constant 0 : i32
    %add3A_23 = arith.addi %mul3A_2, %add3A_22 : i32
    %dma_start3A = arith.constant 0 : i32
    %dma_start3A_24 = tpu.memref_slice %arg3[%add3A_23, %dma_start3A] : memref<2560x128xi32, #tpu.memory_space<hbm>> -> memref<1x128xi32, #tpu.memory_space<hbm>>
    %dma_start3A_25 = arith.constant 0 : i32
    %dma_start3A_26 = tpu.memref_slice %arg3[%add3A_23, %dma_start3A_25] : memref<2560x128xi32, #tpu.memory_space<hbm>> -> memref<1x128xi32, #tpu.memory_space<hbm>>
    tpu.enqueue_dma source(%dma_start3A_26 : memref<1x128xi32, #tpu.memory_space<hbm>>) target(%arg6 : memref<1x128xi32, #tpu.memory_space<vmem>>) target_semaphore(%arg14 : memref<!tpu.dma_semaphore, #tpu.memory_space<semaphore_mem>>)
    %add3A_27 = arith.constant 0 : i32
    %add3A_28 = arith.addi %mul3A_2, %add3A_27 : i32
    %dma_start3A_29 = arith.constant 0 : i32
    %dma_start3A_30 = tpu.memref_slice %arg4[%add3A_28, %dma_start3A_29] : memref<2560x128xi32, #tpu.memory_space<hbm>> -> memref<1x128xi32, #tpu.memory_space<hbm>>
    %dma_start3A_31 = arith.constant 0 : i32
    %dma_start3A_32 = tpu.memref_slice %arg4[%add3A_28, %dma_start3A_31] : memref<2560x128xi32, #tpu.memory_space<hbm>> -> memref<1x128xi32, #tpu.memory_space<hbm>>
    tpu.enqueue_dma source(%dma_start3A_32 : memref<1x128xi32, #tpu.memory_space<hbm>>) target(%arg7 : memref<1x128xi32, #tpu.memory_space<vmem>>) target_semaphore(%arg14 : memref<!tpu.dma_semaphore, #tpu.memory_space<semaphore_mem>>)
    %add3A_33 = arith.constant 1 : i32
    %add3A_34 = arith.addi %mul3A_2, %add3A_33 : i32
    %dma_start3A_35 = arith.constant 0 : i32
    %dma_start3A_36 = tpu.memref_slice %arg3[%add3A_34, %dma_start3A_35] : memref<2560x128xi32, #tpu.memory_space<hbm>> -> memref<1x128xi32, #tpu.memory_space<hbm>>
    %dma_start3A_37 = arith.constant 0 : i32
    %dma_start3A_38 = tpu.memref_slice %arg3[%add3A_34, %dma_start3A_37] : memref<2560x128xi32, #tpu.memory_space<hbm>> -> memref<1x128xi32, #tpu.memory_space<hbm>>
    tpu.enqueue_dma source(%dma_start3A_38 : memref<1x128xi32, #tpu.memory_space<hbm>>) target(%arg8 : memref<1x128xi32, #tpu.memory_space<vmem>>) target_semaphore(%arg15 : memref<!tpu.dma_semaphore, #tpu.memory_space<semaphore_mem>>)
    %add3A_39 = arith.constant 1 : i32
    %add3A_40 = arith.addi %mul3A_2, %add3A_39 : i32
    %dma_start3A_41 = arith.constant 0 : i32
    %dma_start3A_42 = tpu.memref_slice %arg4[%add3A_40, %dma_start3A_41] : memref<2560x128xi32, #tpu.memory_space<hbm>> -> memref<1x128xi32, #tpu.memory_space<hbm>>
    %dma_start3A_43 = arith.constant 0 : i32
    %dma_start3A_44 = tpu.memref_slice %arg4[%add3A_40, %dma_start3A_43] : memref<2560x128xi32, #tpu.memory_space<hbm>> -> memref<1x128xi32, #tpu.memory_space<hbm>>
    tpu.enqueue_dma source(%dma_start3A_44 : memref<1x128xi32, #tpu.memory_space<hbm>>) target(%arg9 : memref<1x128xi32, #tpu.memory_space<vmem>>) target_semaphore(%arg15 : memref<!tpu.dma_semaphore, #tpu.memory_space<semaphore_mem>>)
    %dma_wait3A = arith.constant 0 : i32
    %dma_wait3A_45 = tpu.memref_slice %arg3[%mul3A_2, %dma_wait3A] : memref<2560x128xi32, #tpu.memory_space<hbm>> -> memref<1x128xi32, #tpu.memory_space<hbm>>
    %dma_wait3A_46 = arith.constant 0 : i32
    %dma_wait3A_47 = tpu.memref_slice %arg3[%mul3A_2, %dma_wait3A_46] : memref<2560x128xi32, #tpu.memory_space<hbm>> -> memref<1x128xi32, #tpu.memory_space<hbm>>
    tpu.wait_dma2 semaphore(%arg14 : memref<!tpu.dma_semaphore, #tpu.memory_space<semaphore_mem>>) src(%dma_wait3A_47 : memref<1x128xi32, #tpu.memory_space<hbm>>) dst(%arg6 : memref<1x128xi32, #tpu.memory_space<vmem>>)
    %dma_wait3A_48 = arith.constant 0 : i32
    %dma_wait3A_49 = tpu.memref_slice %arg4[%mul3A_2, %dma_wait3A_48] : memref<2560x128xi32, #tpu.memory_space<hbm>> -> memref<1x128xi32, #tpu.memory_space<hbm>>
    %dma_wait3A_50 = arith.constant 0 : i32
    %dma_wait3A_51 = tpu.memref_slice %arg4[%mul3A_2, %dma_wait3A_50] : memref<2560x128xi32, #tpu.memory_space<hbm>> -> memref<1x128xi32, #tpu.memory_space<hbm>>
    tpu.wait_dma2 semaphore(%arg14 : memref<!tpu.dma_semaphore, #tpu.memory_space<semaphore_mem>>) src(%dma_wait3A_51 : memref<1x128xi32, #tpu.memory_space<hbm>>) dst(%arg7 : memref<1x128xi32, #tpu.memory_space<vmem>>)
    %dma_start3A_52 = arith.constant 0 : i32
    %dma_start3A_53 = arith.constant 0 : i32
    %dma_start3A_54 = tpu.memref_slice %arg6[%dma_start3A_52, %dma_start3A_53] : memref<1x128xi32, #tpu.memory_space<vmem>> -> memref<1x128xi32, #tpu.memory_space<vmem>>
    %dma_start3A_55 = tpu.memref_squeeze %dma_start3A_54 : memref<1x128xi32, #tpu.memory_space<vmem>> -> memref<128xi32, #tpu.memory_space<vmem>>
    %dma_start3A_56 = arith.constant 0 : i32
    %dma_start3A_57 = arith.constant 0 : i32
    %dma_start3A_58 = tpu.memref_slice %arg2[%dma_start3A_56, %dma_start3A_57] : memref<10000x16xf32, #tpu.memory_space<hbm>> -> memref<10000x16xf32, #tpu.memory_space<hbm>>
    tpu.enqueue_indirect_dma source(%dma_start3A_58 : memref<10000x16xf32, #tpu.memory_space<hbm>>) target(%arg10 : memref<128x16xf32, #tpu.memory_space<vmem>>) offsets(%dma_start3A_55 : memref<128xi32, #tpu.memory_space<vmem>>) semaphore(%arg16 : memref<!tpu.dma_semaphore, #tpu.memory_space<semaphore_mem>>)
    %scan3A_59 = arith.constant 0 : i32
    %scan3A_60 = arith.constant 40 : i32
    %scan3A_61 = arith.addi %scan3A_59, %scan3A_60 : i32
    %scan3A_62 = arith.constant 1 : i32
    scf.for %scan3A_83 = %scan3A_59 to %scan3A_61 step %scan3A_62  : i32 {
      %mul3A_84 = arith.constant 1 : i32
      %mul3A_85 = arith.muli %scan3A_83, %mul3A_84 : i32
      %add3A_86 = arith.constant 0 : i32
      %add3A_87 = arith.addi %add3A_86, %mul3A_85 : i32
      %dma_wait3A_88 = arith.constant 0 : i32
      %dma_wait3A_89 = arith.constant 0 : i32
      %dma_wait3A_90 = tpu.memref_slice %arg6[%dma_wait3A_88, %dma_wait3A_89] : memref<1x128xi32, #tpu.memory_space<vmem>> -> memref<1x128xi32, #tpu.memory_space<vmem>>
      %dma_wait3A_91 = tpu.memref_squeeze %dma_wait3A_90 : memref<1x128xi32, #tpu.memory_space<vmem>> -> memref<128xi32, #tpu.memory_space<vmem>>
      %dma_wait3A_92 = arith.constant 0 : i32
      %dma_wait3A_93 = arith.constant 0 : i32
      %dma_wait3A_94 = tpu.memref_slice %arg2[%dma_wait3A_92, %dma_wait3A_93] : memref<10000x16xf32, #tpu.memory_space<hbm>> -> memref<10000x16xf32, #tpu.memory_space<hbm>>
      tpu.wait_indirect_dma semaphore(%arg16 : memref<!tpu.dma_semaphore, #tpu.memory_space<semaphore_mem>>) src(%dma_wait3A_94 : memref<10000x16xf32, #tpu.memory_space<hbm>>) dst(%arg10 : memref<128x16xf32, #tpu.memory_space<vmem>>)
      %dma_wait3A_95 = arith.constant 0 : i32
      %dma_wait3A_96 = tpu.memref_slice %arg3[%mul3A_2, %dma_wait3A_95] : memref<2560x128xi32, #tpu.memory_space<hbm>> -> memref<1x128xi32, #tpu.memory_space<hbm>>
      %dma_wait3A_97 = arith.constant 0 : i32
      %dma_wait3A_98 = tpu.memref_slice %arg3[%mul3A_2, %dma_wait3A_97] : memref<2560x128xi32, #tpu.memory_space<hbm>> -> memref<1x128xi32, #tpu.memory_space<hbm>>
      tpu.wait_dma2 semaphore(%arg15 : memref<!tpu.dma_semaphore, #tpu.memory_space<semaphore_mem>>) src(%dma_wait3A_98 : memref<1x128xi32, #tpu.memory_space<hbm>>) dst(%arg8 : memref<1x128xi32, #tpu.memory_space<vmem>>)
      %dma_wait3A_99 = arith.constant 0 : i32
      %dma_wait3A_100 = tpu.memref_slice %arg4[%mul3A_2, %dma_wait3A_99] : memref<2560x128xi32, #tpu.memory_space<hbm>> -> memref<1x128xi32, #tpu.memory_space<hbm>>
      %dma_wait3A_101 = arith.constant 0 : i32
      %dma_wait3A_102 = tpu.memref_slice %arg4[%mul3A_2, %dma_wait3A_101] : memref<2560x128xi32, #tpu.memory_space<hbm>> -> memref<1x128xi32, #tpu.memory_space<hbm>>
      tpu.wait_dma2 semaphore(%arg15 : memref<!tpu.dma_semaphore, #tpu.memory_space<semaphore_mem>>) src(%dma_wait3A_102 : memref<1x128xi32, #tpu.memory_space<hbm>>) dst(%arg9 : memref<1x128xi32, #tpu.memory_space<vmem>>)
      %dma_start3A_103 = arith.constant 0 : i32
      %dma_start3A_104 = arith.constant 0 : i32
      %dma_start3A_105 = tpu.memref_slice %arg8[%dma_start3A_103, %dma_start3A_104] : memref<1x128xi32, #tpu.memory_space<vmem>> -> memref<1x128xi32, #tpu.memory_space<vmem>>
      %dma_start3A_106 = tpu.memref_squeeze %dma_start3A_105 : memref<1x128xi32, #tpu.memory_space<vmem>> -> memref<128xi32, #tpu.memory_space<vmem>>
      %dma_start3A_107 = arith.constant 0 : i32
      %dma_start3A_108 = arith.constant 0 : i32
      %dma_start3A_109 = tpu.memref_slice %arg2[%dma_start3A_107, %dma_start3A_108] : memref<10000x16xf32, #tpu.memory_space<hbm>> -> memref<10000x16xf32, #tpu.memory_space<hbm>>
      tpu.enqueue_indirect_dma source(%dma_start3A_109 : memref<10000x16xf32, #tpu.memory_space<hbm>>) target(%arg11 : memref<128x16xf32, #tpu.memory_space<vmem>>) offsets(%dma_start3A_106 : memref<128xi32, #tpu.memory_space<vmem>>) semaphore(%arg17 : memref<!tpu.dma_semaphore, #tpu.memory_space<semaphore_mem>>)
      %run_scoped3A = arith.constant 0 : i32
      "tpu.region"() ({
        %run_scoped3A_130 = tpu.sem_alloc : memref<!tpu.dma_semaphore, #tpu.memory_space<semaphore_mem>>
        %dma_start3A_131 = arith.constant 0 : i32
        %dma_start3A_132 = tpu.memref_slice %arg7[%run_scoped3A, %dma_start3A_131] : memref<1x128xi32, #tpu.memory_space<vmem>> -> memref<1x128xi32, #tpu.memory_space<vmem>>
        %dma_start3A_133 = tpu.memref_squeeze %dma_start3A_132 : memref<1x128xi32, #tpu.memory_space<vmem>> -> memref<128xi32, #tpu.memory_space<vmem>>
        %dma_start3A_134 = arith.constant 0 : i32
        %dma_start3A_135 = arith.constant 0 : i32
        %dma_start3A_136 = tpu.memref_slice %arg13[%dma_start3A_134, %dma_start3A_135] : memref<10080x16xf32, #tpu.memory_space<vmem_shared>> -> memref<10080x16xf32, #tpu.memory_space<vmem_shared>>
        tpu.enqueue_indirect_dma source(%arg10 : memref<128x16xf32, #tpu.memory_space<vmem>>) target(%dma_start3A_136 : memref<10080x16xf32, #tpu.memory_space<vmem_shared>>) offsets(%dma_start3A_133 : memref<128xi32, #tpu.memory_space<vmem>>) semaphore(%run_scoped3A_130 : memref<!tpu.dma_semaphore, #tpu.memory_space<semaphore_mem>>) {add = true}
        %dma_wait3A_137 = arith.constant 0 : i32
        %dma_wait3A_138 = tpu.memref_slice %arg7[%run_scoped3A, %dma_wait3A_137] : memref<1x128xi32, #tpu.memory_space<vmem>> -> memref<1x128xi32, #tpu.memory_space<vmem>>
        %dma_wait3A_139 = tpu.memref_squeeze %dma_wait3A_138 : memref<1x128xi32, #tpu.memory_space<vmem>> -> memref<128xi32, #tpu.memory_space<vmem>>
        %dma_wait3A_140 = arith.constant 0 : i32
        %dma_wait3A_141 = arith.constant 0 : i32
        %dma_wait3A_142 = tpu.memref_slice %arg13[%dma_wait3A_140, %dma_wait3A_141] : memref<10080x16xf32, #tpu.memory_space<vmem_shared>> -> memref<10080x16xf32, #tpu.memory_space<vmem_shared>>
        tpu.wait_indirect_dma semaphore(%run_scoped3A_130 : memref<!tpu.dma_semaphore, #tpu.memory_space<semaphore_mem>>) src(%arg10 : memref<128x16xf32, #tpu.memory_space<vmem>>) dst(%dma_wait3A_142 : memref<10080x16xf32, #tpu.memory_space<vmem_shared>>)
        tpu.yield
      }) : () -> ()
      %lt3A = arith.constant 39 : i32
      %lt3A_110 = arith.cmpi slt, %add3A_87, %lt3A : i32
      %convert_element_type3A = arith.extui %lt3A_110 : i1 to i32
      %cond3A = arith.constant 0 : i32
      %cond3A_111 = arith.cmpi ne, %convert_element_type3A, %cond3A : i32
      scf.if %cond3A_111 {
        %mul3A_130 = arith.constant 2 : i32
        %mul3A_131 = arith.muli %mul3A_130, %add3A_87 : i32
        %add3A_132 = arith.constant 2 : i32
        %add3A_133 = arith.addi %mul3A_131, %add3A_132 : i32
        %add3A_134 = arith.addi %mul3A_2, %add3A_133 : i32
        %dma_start3A_135 = arith.constant 0 : i32
        %dma_start3A_136 = tpu.memref_slice %arg3[%add3A_134, %dma_start3A_135] : memref<2560x128xi32, #tpu.memory_space<hbm>> -> memref<1x128xi32, #tpu.memory_space<hbm>>
        %dma_start3A_137 = arith.constant 0 : i32
        %dma_start3A_138 = tpu.memref_slice %arg3[%add3A_134, %dma_start3A_137] : memref<2560x128xi32, #tpu.memory_space<hbm>> -> memref<1x128xi32, #tpu.memory_space<hbm>>
        tpu.enqueue_dma source(%dma_start3A_138 : memref<1x128xi32, #tpu.memory_space<hbm>>) target(%arg6 : memref<1x128xi32, #tpu.memory_space<vmem>>) target_semaphore(%arg14 : memref<!tpu.dma_semaphore, #tpu.memory_space<semaphore_mem>>)
        %add3A_139 = arith.addi %mul3A_2, %add3A_133 : i32
        %dma_start3A_140 = arith.constant 0 : i32
        %dma_start3A_141 = tpu.memref_slice %arg4[%add3A_139, %dma_start3A_140] : memref<2560x128xi32, #tpu.memory_space<hbm>> -> memref<1x128xi32, #tpu.memory_space<hbm>>
        %dma_start3A_142 = arith.constant 0 : i32
        %dma_start3A_143 = tpu.memref_slice %arg4[%add3A_139, %dma_start3A_142] : memref<2560x128xi32, #tpu.memory_space<hbm>> -> memref<1x128xi32, #tpu.memory_space<hbm>>
        tpu.enqueue_dma source(%dma_start3A_143 : memref<1x128xi32, #tpu.memory_space<hbm>>) target(%arg7 : memref<1x128xi32, #tpu.memory_space<vmem>>) target_semaphore(%arg14 : memref<!tpu.dma_semaphore, #tpu.memory_space<semaphore_mem>>)
      } else {
      }
      %dma_wait3A_112 = arith.constant 0 : i32
      %dma_wait3A_113 = arith.constant 0 : i32
      %dma_wait3A_114 = tpu.memref_slice %arg8[%dma_wait3A_112, %dma_wait3A_113] : memref<1x128xi32, #tpu.memory_space<vmem>> -> memref<1x128xi32, #tpu.memory_space<vmem>>
      %dma_wait3A_115 = tpu.memref_squeeze %dma_wait3A_114 : memref<1x128xi32, #tpu.memory_space<vmem>> -> memref<128xi32, #tpu.memory_space<vmem>>
      %dma_wait3A_116 = arith.constant 0 : i32
      %dma_wait3A_117 = arith.constant 0 : i32
      %dma_wait3A_118 = tpu.memref_slice %arg2[%dma_wait3A_116, %dma_wait3A_117] : memref<10000x16xf32, #tpu.memory_space<hbm>> -> memref<10000x16xf32, #tpu.memory_space<hbm>>
      tpu.wait_indirect_dma semaphore(%arg17 : memref<!tpu.dma_semaphore, #tpu.memory_space<semaphore_mem>>) src(%dma_wait3A_118 : memref<10000x16xf32, #tpu.memory_space<hbm>>) dst(%arg11 : memref<128x16xf32, #tpu.memory_space<vmem>>)
      %lt3A_119 = arith.constant 39 : i32
      %lt3A_120 = arith.cmpi slt, %add3A_87, %lt3A_119 : i32
      %convert_element_type3A_121 = arith.extui %lt3A_120 : i1 to i32
      %cond3A_122 = arith.constant 0 : i32
      %cond3A_123 = arith.cmpi ne, %convert_element_type3A_121, %cond3A_122 : i32
      scf.if %cond3A_123 {
        %dma_wait3A_130 = arith.constant 0 : i32
        %dma_wait3A_131 = tpu.memref_slice %arg3[%mul3A_2, %dma_wait3A_130] : memref<2560x128xi32, #tpu.memory_space<hbm>> -> memref<1x128xi32, #tpu.memory_space<hbm>>
        %dma_wait3A_132 = arith.constant 0 : i32
        %dma_wait3A_133 = tpu.memref_slice %arg3[%mul3A_2, %dma_wait3A_132] : memref<2560x128xi32, #tpu.memory_space<hbm>> -> memref<1x128xi32, #tpu.memory_space<hbm>>
        tpu.wait_dma2 semaphore(%arg14 : memref<!tpu.dma_semaphore, #tpu.memory_space<semaphore_mem>>) src(%dma_wait3A_133 : memref<1x128xi32, #tpu.memory_space<hbm>>) dst(%arg6 : memref<1x128xi32, #tpu.memory_space<vmem>>)
        %dma_wait3A_134 = arith.constant 0 : i32
        %dma_wait3A_135 = tpu.memref_slice %arg4[%mul3A_2, %dma_wait3A_134] : memref<2560x128xi32, #tpu.memory_space<hbm>> -> memref<1x128xi32, #tpu.memory_space<hbm>>
        %dma_wait3A_136 = arith.constant 0 : i32
        %dma_wait3A_137 = tpu.memref_slice %arg4[%mul3A_2, %dma_wait3A_136] : memref<2560x128xi32, #tpu.memory_space<hbm>> -> memref<1x128xi32, #tpu.memory_space<hbm>>
        tpu.wait_dma2 semaphore(%arg14 : memref<!tpu.dma_semaphore, #tpu.memory_space<semaphore_mem>>) src(%dma_wait3A_137 : memref<1x128xi32, #tpu.memory_space<hbm>>) dst(%arg7 : memref<1x128xi32, #tpu.memory_space<vmem>>)
        %dma_start3A_138 = arith.constant 0 : i32
        %dma_start3A_139 = arith.constant 0 : i32
        %dma_start3A_140 = tpu.memref_slice %arg6[%dma_start3A_138, %dma_start3A_139] : memref<1x128xi32, #tpu.memory_space<vmem>> -> memref<1x128xi32, #tpu.memory_space<vmem>>
        %dma_start3A_141 = tpu.memref_squeeze %dma_start3A_140 : memref<1x128xi32, #tpu.memory_space<vmem>> -> memref<128xi32, #tpu.memory_space<vmem>>
        %dma_start3A_142 = arith.constant 0 : i32
        %dma_start3A_143 = arith.constant 0 : i32
        %dma_start3A_144 = tpu.memref_slice %arg2[%dma_start3A_142, %dma_start3A_143] : memref<10000x16xf32, #tpu.memory_space<hbm>> -> memref<10000x16xf32, #tpu.memory_space<hbm>>
        tpu.enqueue_indirect_dma source(%dma_start3A_144 : memref<10000x16xf32, #tpu.memory_space<hbm>>) target(%arg10 : memref<128x16xf32, #tpu.memory_space<vmem>>) offsets(%dma_start3A_141 : memref<128xi32, #tpu.memory_space<vmem>>) semaphore(%arg16 : memref<!tpu.dma_semaphore, #tpu.memory_space<semaphore_mem>>)
      } else {
      }
      %run_scoped3A_124 = arith.constant 0 : i32
      "tpu.region"() ({
        %run_scoped3A_130 = tpu.sem_alloc : memref<!tpu.dma_semaphore, #tpu.memory_space<semaphore_mem>>
        %dma_start3A_131 = arith.constant 0 : i32
        %dma_start3A_132 = tpu.memref_slice %arg9[%run_scoped3A_124, %dma_start3A_131] : memref<1x128xi32, #tpu.memory_space<vmem>> -> memref<1x128xi32, #tpu.memory_space<vmem>>
        %dma_start3A_133 = tpu.memref_squeeze %dma_start3A_132 : memref<1x128xi32, #tpu.memory_space<vmem>> -> memref<128xi32, #tpu.memory_space<vmem>>
        %dma_start3A_134 = arith.constant 0 : i32
        %dma_start3A_135 = arith.constant 0 : i32
        %dma_start3A_136 = tpu.memref_slice %arg13[%dma_start3A_134, %dma_start3A_135] : memref<10080x16xf32, #tpu.memory_space<vmem_shared>> -> memref<10080x16xf32, #tpu.memory_space<vmem_shared>>
        tpu.enqueue_indirect_dma source(%arg11 : memref<128x16xf32, #tpu.memory_space<vmem>>) target(%dma_start3A_136 : memref<10080x16xf32, #tpu.memory_space<vmem_shared>>) offsets(%dma_start3A_133 : memref<128xi32, #tpu.memory_space<vmem>>) semaphore(%run_scoped3A_130 : memref<!tpu.dma_semaphore, #tpu.memory_space<semaphore_mem>>) {add = true}
        %dma_wait3A_137 = arith.constant 0 : i32
        %dma_wait3A_138 = tpu.memref_slice %arg9[%run_scoped3A_124, %dma_wait3A_137] : memref<1x128xi32, #tpu.memory_space<vmem>> -> memref<1x128xi32, #tpu.memory_space<vmem>>
        %dma_wait3A_139 = tpu.memref_squeeze %dma_wait3A_138 : memref<1x128xi32, #tpu.memory_space<vmem>> -> memref<128xi32, #tpu.memory_space<vmem>>
        %dma_wait3A_140 = arith.constant 0 : i32
        %dma_wait3A_141 = arith.constant 0 : i32
        %dma_wait3A_142 = tpu.memref_slice %arg13[%dma_wait3A_140, %dma_wait3A_141] : memref<10080x16xf32, #tpu.memory_space<vmem_shared>> -> memref<10080x16xf32, #tpu.memory_space<vmem_shared>>
        tpu.wait_indirect_dma semaphore(%run_scoped3A_130 : memref<!tpu.dma_semaphore, #tpu.memory_space<semaphore_mem>>) src(%arg11 : memref<128x16xf32, #tpu.memory_space<vmem>>) dst(%dma_wait3A_142 : memref<10080x16xf32, #tpu.memory_space<vmem_shared>>)
        tpu.yield
      }) : () -> ()
      %lt3A_125 = arith.constant 39 : i32
      %lt3A_126 = arith.cmpi slt, %add3A_87, %lt3A_125 : i32
      %convert_element_type3A_127 = arith.extui %lt3A_126 : i1 to i32
      %cond3A_128 = arith.constant 0 : i32
      %cond3A_129 = arith.cmpi ne, %convert_element_type3A_127, %cond3A_128 : i32
      scf.if %cond3A_129 {
        %mul3A_130 = arith.constant 2 : i32
        %mul3A_131 = arith.muli %mul3A_130, %add3A_87 : i32
        %add3A_132 = arith.constant 3 : i32
        %add3A_133 = arith.addi %mul3A_131, %add3A_132 : i32
        %add3A_134 = arith.addi %mul3A_2, %add3A_133 : i32
        %dma_start3A_135 = arith.constant 0 : i32
        %dma_start3A_136 = tpu.memref_slice %arg3[%add3A_134, %dma_start3A_135] : memref<2560x128xi32, #tpu.memory_space<hbm>> -> memref<1x128xi32, #tpu.memory_space<hbm>>
        %dma_start3A_137 = arith.constant 0 : i32
        %dma_start3A_138 = tpu.memref_slice %arg3[%add3A_134, %dma_start3A_137] : memref<2560x128xi32, #tpu.memory_space<hbm>> -> memref<1x128xi32, #tpu.memory_space<hbm>>
        tpu.enqueue_dma source(%dma_start3A_138 : memref<1x128xi32, #tpu.memory_space<hbm>>) target(%arg8 : memref<1x128xi32, #tpu.memory_space<vmem>>) target_semaphore(%arg15 : memref<!tpu.dma_semaphore, #tpu.memory_space<semaphore_mem>>)
        %add3A_139 = arith.addi %mul3A_2, %add3A_133 : i32
        %dma_start3A_140 = arith.constant 0 : i32
        %dma_start3A_141 = tpu.memref_slice %arg4[%add3A_139, %dma_start3A_140] : memref<2560x128xi32, #tpu.memory_space<hbm>> -> memref<1x128xi32, #tpu.memory_space<hbm>>
        %dma_start3A_142 = arith.constant 0 : i32
        %dma_start3A_143 = tpu.memref_slice %arg4[%add3A_139, %dma_start3A_142] : memref<2560x128xi32, #tpu.memory_space<hbm>> -> memref<1x128xi32, #tpu.memory_space<hbm>>
        tpu.enqueue_dma source(%dma_start3A_143 : memref<1x128xi32, #tpu.memory_space<hbm>>) target(%arg9 : memref<1x128xi32, #tpu.memory_space<vmem>>) target_semaphore(%arg15 : memref<!tpu.dma_semaphore, #tpu.memory_space<semaphore_mem>>)
      } else {
      }
    }
    %scan3A_63 = arith.constant 40 : i32
    %barrier3A_64 = arith.constant 0 : index
    tpu.barrier barrier_id(%barrier3A_64)
    %sub3A_65 = arith.constant 126 : i32
    %sub3A_66 = arith.subi %sub3A_65, %arg1 : i32
    %sub3A_67 = arith.constant 16 : i32
    %sub3A_68 = arith.constant 1 : i32
    %sub3A_69 = arith.subi %sub3A_67, %sub3A_68 : i32
    %add3A_70 = arith.addi %sub3A_66, %sub3A_69 : i32
    %div3A_71 = arith.constant 16 : i32
    %div3A_72 = arith.divsi %add3A_70, %div3A_71 : i32
    %while3A_73 = arith.constant 16 : i32
    %while3A_74 = arith.constant 0 : i32
    %while3A_75 = arith.subi %div3A_72, %while3A_74 : i32
    %while3A_76 = arith.addi %while3A_74, %while3A_75 : i32
    %while3A_77 = arith.constant 1 : i32
    %while3A_78 = arith.divsi %while3A_75, %while3A_77 : i32
    %while3A_79 = arith.muli %while3A_78, %while3A_77 : i32
    %while3A_80 = arith.addi %while3A_74, %while3A_79 : i32
    %while3A_81 = arith.constant 1 : i32
    scf.for %while3A_83 = %while3A_74 to %while3A_80 step %while3A_81  : i32 {
      %mul3A_84 = arith.muli %while3A_83, %while3A_73 : i32
      %add3A_85 = arith.addi %arg1, %mul3A_84 : i32
      %mul3A_86 = arith.constant 80 : i32
      %mul3A_87 = arith.muli %add3A_85, %mul3A_86 : i32
      %mul3A_88 = arith.constant 80 : i32
      %mul3A_89 = arith.muli %add3A_85, %mul3A_88 : i32
      "tpu.region"() ({
        %run_scoped3A = tpu.sem_alloc : memref<!tpu.dma_semaphore, #tpu.memory_space<semaphore_mem>>
        %dma_start3A_90 = arith.constant 0 : i32
        %dma_start3A_91 = arith.constant 0 : i32
        %dma_start3A_92 = tpu.memref_slice %arg5[%arg0, %dma_start3A_90, %dma_start3A_91] : memref<2x10080x16xf32, #tpu.memory_space<hbm>> -> memref<1x10080x16xf32, #tpu.memory_space<hbm>>
        %dma_start3A_93 = tpu.memref_squeeze %dma_start3A_92 : memref<1x10080x16xf32, #tpu.memory_space<hbm>> -> memref<10080x16xf32, #tpu.memory_space<hbm>>
        %dma_start3A_94 = arith.constant 0 : i32
        %dma_start3A_95 = tpu.memref_slice %dma_start3A_93[%mul3A_89, %dma_start3A_94] : memref<10080x16xf32, #tpu.memory_space<hbm>> -> memref<80x16xf32, #tpu.memory_space<hbm>>
        %dma_start3A_96 = arith.constant 0 : i32
        %dma_start3A_97 = tpu.memref_slice %arg13[%mul3A_87, %dma_start3A_96] : memref<10080x16xf32, #tpu.memory_space<vmem_shared>> -> memref<80x16xf32, #tpu.memory_space<vmem_shared>>
        tpu.enqueue_dma source(%dma_start3A_97 : memref<80x16xf32, #tpu.memory_space<vmem_shared>>) target(%dma_start3A_95 : memref<80x16xf32, #tpu.memory_space<hbm>>) target_semaphore(%run_scoped3A : memref<!tpu.dma_semaphore, #tpu.memory_space<semaphore_mem>>)
        %dma_wait3A_98 = arith.constant 0 : i32
        %dma_wait3A_99 = arith.constant 0 : i32
        %dma_wait3A_100 = tpu.memref_slice %arg5[%arg0, %dma_wait3A_98, %dma_wait3A_99] : memref<2x10080x16xf32, #tpu.memory_space<hbm>> -> memref<1x10080x16xf32, #tpu.memory_space<hbm>>
        %dma_wait3A_101 = tpu.memref_squeeze %dma_wait3A_100 : memref<1x10080x16xf32, #tpu.memory_space<hbm>> -> memref<10080x16xf32, #tpu.memory_space<hbm>>
        %dma_wait3A_102 = arith.constant 0 : i32
        %dma_wait3A_103 = tpu.memref_slice %dma_wait3A_101[%mul3A_89, %dma_wait3A_102] : memref<10080x16xf32, #tpu.memory_space<hbm>> -> memref<80x16xf32, #tpu.memory_space<hbm>>
        %dma_wait3A_104 = arith.constant 0 : i32
        %dma_wait3A_105 = tpu.memref_slice %arg13[%mul3A_87, %dma_wait3A_104] : memref<10080x16xf32, #tpu.memory_space<vmem_shared>> -> memref<80x16xf32, #tpu.memory_space<vmem_shared>>
        tpu.wait_dma2 semaphore(%run_scoped3A : memref<!tpu.dma_semaphore, #tpu.memory_space<semaphore_mem>>) src(%dma_wait3A_105 : memref<80x16xf32, #tpu.memory_space<vmem_shared>>) dst(%dma_wait3A_103 : memref<80x16xf32, #tpu.memory_space<hbm>>)
        tpu.yield
      }) : () -> ()
    }
    %while3A_82 = arith.constant 1 : i32
    scf.for %while3A_83 = %while3A_80 to %while3A_76 step %while3A_82  : i32 {
      %mul3A_84 = arith.muli %while3A_83, %while3A_73 : i32
      %add3A_85 = arith.addi %arg1, %mul3A_84 : i32
      %mul3A_86 = arith.constant 80 : i32
      %mul3A_87 = arith.muli %add3A_85, %mul3A_86 : i32
      %mul3A_88 = arith.constant 80 : i32
      %mul3A_89 = arith.muli %add3A_85, %mul3A_88 : i32
      "tpu.region"() ({
        %run_scoped3A = tpu.sem_alloc : memref<!tpu.dma_semaphore, #tpu.memory_space<semaphore_mem>>
        %dma_start3A_90 = arith.constant 0 : i32
        %dma_start3A_91 = arith.constant 0 : i32
        %dma_start3A_92 = tpu.memref_slice %arg5[%arg0, %dma_start3A_90, %dma_start3A_91] : memref<2x10080x16xf32, #tpu.memory_space<hbm>> -> memref<1x10080x16xf32, #tpu.memory_space<hbm>>
        %dma_start3A_93 = tpu.memref_squeeze %dma_start3A_92 : memref<1x10080x16xf32, #tpu.memory_space<hbm>> -> memref<10080x16xf32, #tpu.memory_space<hbm>>
        %dma_start3A_94 = arith.constant 0 : i32
        %dma_start3A_95 = tpu.memref_slice %dma_start3A_93[%mul3A_89, %dma_start3A_94] : memref<10080x16xf32, #tpu.memory_space<hbm>> -> memref<80x16xf32, #tpu.memory_space<hbm>>
        %dma_start3A_96 = arith.constant 0 : i32
        %dma_start3A_97 = tpu.memref_slice %arg13[%mul3A_87, %dma_start3A_96] : memref<10080x16xf32, #tpu.memory_space<vmem_shared>> -> memref<80x16xf32, #tpu.memory_space<vmem_shared>>
        tpu.enqueue_dma source(%dma_start3A_97 : memref<80x16xf32, #tpu.memory_space<vmem_shared>>) target(%dma_start3A_95 : memref<80x16xf32, #tpu.memory_space<hbm>>) target_semaphore(%run_scoped3A : memref<!tpu.dma_semaphore, #tpu.memory_space<semaphore_mem>>)
        %dma_wait3A_98 = arith.constant 0 : i32
        %dma_wait3A_99 = arith.constant 0 : i32
        %dma_wait3A_100 = tpu.memref_slice %arg5[%arg0, %dma_wait3A_98, %dma_wait3A_99] : memref<2x10080x16xf32, #tpu.memory_space<hbm>> -> memref<1x10080x16xf32, #tpu.memory_space<hbm>>
        %dma_wait3A_101 = tpu.memref_squeeze %dma_wait3A_100 : memref<1x10080x16xf32, #tpu.memory_space<hbm>> -> memref<10080x16xf32, #tpu.memory_space<hbm>>
        %dma_wait3A_102 = arith.constant 0 : i32
        %dma_wait3A_103 = tpu.memref_slice %dma_wait3A_101[%mul3A_89, %dma_wait3A_102] : memref<10080x16xf32, #tpu.memory_space<hbm>> -> memref<80x16xf32, #tpu.memory_space<hbm>>
        %dma_wait3A_104 = arith.constant 0 : i32
        %dma_wait3A_105 = tpu.memref_slice %arg13[%mul3A_87, %dma_wait3A_104] : memref<10080x16xf32, #tpu.memory_space<vmem_shared>> -> memref<80x16xf32, #tpu.memory_space<vmem_shared>>
        tpu.wait_dma2 semaphore(%run_scoped3A : memref<!tpu.dma_semaphore, #tpu.memory_space<semaphore_mem>>) src(%dma_wait3A_105 : memref<80x16xf32, #tpu.memory_space<vmem_shared>>) dst(%dma_wait3A_103 : memref<80x16xf32, #tpu.memory_space<hbm>>)
        tpu.yield
      }) : () -> ()
    }
    return
  }
}

#map = affine_map<(d0, d1) -> (0, 0)>
#map1 = affine_map<(d0, d1) -> (0, 0, 0)>
module attributes {stable_mosaic.version = 14 : i64} {
  func.func @_sc_count(%arg0: i32, %arg1: i32, %arg2: memref<2560x128xi32, #tpu.memory_space<hbm>>, %arg3: memref<2x10080x16xf32, #tpu.memory_space<hbm>>, %arg4: memref<128x16xf32, #tpu.memory_space<vmem>>, %arg5: memref<1x128xi32, #tpu.memory_space<vmem>>, %arg6: memref<1x128xi32, #tpu.memory_space<vmem>>, %arg7: memref<80x16xf32, #tpu.memory_space<vmem>>, %arg8: memref<10080x16xf32, #tpu.memory_space<vmem_shared>>, %arg9: memref<!tpu.dma_semaphore, #tpu.memory_space<semaphore_mem>>, %arg10: memref<!tpu.dma_semaphore, #tpu.memory_space<semaphore_mem>>) attributes {dimension_semantics = [#tpu.dimension_semantics<core_parallel>, #tpu.dimension_semantics<subcore_parallel>], iteration_bounds = array<i64: 2, 16>, scalar_prefetch = 0 : i64, scratch_operands = 7 : i64, tpu.core_type = #tpu.core_type<sc_vector_subcore>, window_params = [{transform_indices = #map}, {transform_indices = #map1}]} {
    %mul3A = arith.constant 2 : i32
    %mul3A_0 = arith.muli %arg1, %mul3A : i32
    %add3A = arith.addi %mul3A_0, %arg0 : i32
    %mul3A_1 = arith.constant 80 : i32
    %mul3A_2 = arith.muli %add3A, %mul3A_1 : i32
    %scan3A = arith.constant 0 : i32
    %scan3A_3 = arith.constant 128 : i32
    %scan3A_4 = arith.addi %scan3A, %scan3A_3 : i32
    %scan3A_5 = arith.constant 1 : i32
    scf.for %scan3A_62 = %scan3A to %scan3A_4 step %scan3A_5  : i32 {
      %mul3A_63 = arith.constant 1 : i32
      %mul3A_64 = arith.muli %scan3A_62, %mul3A_63 : i32
      %add3A_65 = arith.constant 0 : i32
      %add3A_66 = arith.addi %add3A_65, %mul3A_64 : i32
      %broadcast_in_dim3A = arith.constant 1.000000e+00 : f32
      %broadcast_in_dim3A_67 = vector.broadcast %broadcast_in_dim3A : f32 to vector<16xf32>
      %swap3A = arith.index_cast %add3A_66 : i32 to index
      %swap3A_68 = arith.constant 0 : index
      %swap3A_69 = tpu.vector_load %arg4[%swap3A, %swap3A_68] {strides = array<i32>} : memref<128x16xf32, #tpu.memory_space<vmem>>, vector<1x16xf32>,
      %swap3A_70 = vector.shape_cast %swap3A_69 : vector<1x16xf32> to vector<16xf32>
      %swap3A_71 = vector.shape_cast %broadcast_in_dim3A_67 : vector<16xf32> to vector<1x16xf32>
      tpu.vector_store %arg4[%swap3A, %swap3A_68], %swap3A_71 {strides = array<i32>} : memref<128x16xf32, #tpu.memory_space<vmem>>, vector<1x16xf32>,
    }
    %scan3A_6 = arith.constant 128 : i32
    %scan3A_7 = arith.constant 0 : i32
    %scan3A_8 = arith.constant 80 : i32
    %scan3A_9 = arith.addi %scan3A_7, %scan3A_8 : i32
    %scan3A_10 = arith.constant 1 : i32
    scf.for %scan3A_62 = %scan3A_7 to %scan3A_9 step %scan3A_10  : i32 {
      %mul3A_63 = arith.constant 1 : i32
      %mul3A_64 = arith.muli %scan3A_62, %mul3A_63 : i32
      %add3A_65 = arith.constant 0 : i32
      %add3A_66 = arith.addi %add3A_65, %mul3A_64 : i32
      %broadcast_in_dim3A = arith.constant 0.000000e+00 : f32
      %broadcast_in_dim3A_67 = vector.broadcast %broadcast_in_dim3A : f32 to vector<16xf32>
      %swap3A = arith.index_cast %add3A_66 : i32 to index
      %swap3A_68 = arith.constant 0 : index
      %swap3A_69 = tpu.vector_load %arg7[%swap3A, %swap3A_68] {strides = array<i32>} : memref<80x16xf32, #tpu.memory_space<vmem>>, vector<1x16xf32>,
      %swap3A_70 = vector.shape_cast %swap3A_69 : vector<1x16xf32> to vector<16xf32>
      %swap3A_71 = vector.shape_cast %broadcast_in_dim3A_67 : vector<16xf32> to vector<1x16xf32>
      tpu.vector_store %arg7[%swap3A, %swap3A_68], %swap3A_71 {strides = array<i32>} : memref<80x16xf32, #tpu.memory_space<vmem>>, vector<1x16xf32>,
    }
    %scan3A_11 = arith.constant 80 : i32
    %sub3A = arith.constant 126 : i32
    %sub3A_12 = arith.subi %sub3A, %arg1 : i32
    %sub3A_13 = arith.constant 16 : i32
    %sub3A_14 = arith.constant 1 : i32
    %sub3A_15 = arith.subi %sub3A_13, %sub3A_14 : i32
    %add3A_16 = arith.addi %sub3A_12, %sub3A_15 : i32
    %div3A = arith.constant 16 : i32
    %div3A_17 = arith.divsi %add3A_16, %div3A : i32
    %while3A = arith.constant 16 : i32
    %while3A_18 = arith.constant 0 : i32
    %while3A_19 = arith.subi %div3A_17, %while3A_18 : i32
    %while3A_20 = arith.addi %while3A_18, %while3A_19 : i32
    %while3A_21 = arith.constant 1 : i32
    %while3A_22 = arith.divsi %while3A_19, %while3A_21 : i32
    %while3A_23 = arith.muli %while3A_22, %while3A_21 : i32
    %while3A_24 = arith.addi %while3A_18, %while3A_23 : i32
    %while3A_25 = arith.constant 1 : i32
    scf.for %while3A_62 = %while3A_18 to %while3A_24 step %while3A_25  : i32 {
      %mul3A_63 = arith.muli %while3A_62, %while3A : i32
      %add3A_64 = arith.addi %arg1, %mul3A_63 : i32
      %mul3A_65 = arith.constant 80 : i32
      %mul3A_66 = arith.muli %add3A_64, %mul3A_65 : i32
      "tpu.region"() ({
        %run_scoped3A = tpu.sem_alloc : memref<!tpu.dma_semaphore, #tpu.memory_space<semaphore_mem>>
        %dma_start3A_67 = arith.constant 0 : i32
        %dma_start3A_68 = tpu.memref_slice %arg8[%mul3A_66, %dma_start3A_67] : memref<10080x16xf32, #tpu.memory_space<vmem_shared>> -> memref<80x16xf32, #tpu.memory_space<vmem_shared>>
        %dma_start3A_69 = arith.constant 0 : i32
        %dma_start3A_70 = tpu.memref_slice %arg8[%mul3A_66, %dma_start3A_69] : memref<10080x16xf32, #tpu.memory_space<vmem_shared>> -> memref<80x16xf32, #tpu.memory_space<vmem_shared>>
        tpu.enqueue_dma source(%arg7 : memref<80x16xf32, #tpu.memory_space<vmem>>) target(%dma_start3A_70 : memref<80x16xf32, #tpu.memory_space<vmem_shared>>) target_semaphore(%run_scoped3A : memref<!tpu.dma_semaphore, #tpu.memory_space<semaphore_mem>>)
        %dma_wait3A = arith.constant 0 : i32
        %dma_wait3A_71 = tpu.memref_slice %arg8[%mul3A_66, %dma_wait3A] : memref<10080x16xf32, #tpu.memory_space<vmem_shared>> -> memref<80x16xf32, #tpu.memory_space<vmem_shared>>
        %dma_wait3A_72 = arith.constant 0 : i32
        %dma_wait3A_73 = tpu.memref_slice %arg8[%mul3A_66, %dma_wait3A_72] : memref<10080x16xf32, #tpu.memory_space<vmem_shared>> -> memref<80x16xf32, #tpu.memory_space<vmem_shared>>
        tpu.wait_dma2 semaphore(%run_scoped3A : memref<!tpu.dma_semaphore, #tpu.memory_space<semaphore_mem>>) src(%arg7 : memref<80x16xf32, #tpu.memory_space<vmem>>) dst(%dma_wait3A_73 : memref<80x16xf32, #tpu.memory_space<vmem_shared>>)
        tpu.yield
      }) : () -> ()
    }
    %while3A_26 = arith.constant 1 : i32
    scf.for %while3A_62 = %while3A_24 to %while3A_20 step %while3A_26  : i32 {
      %mul3A_63 = arith.muli %while3A_62, %while3A : i32
      %add3A_64 = arith.addi %arg1, %mul3A_63 : i32
      %mul3A_65 = arith.constant 80 : i32
      %mul3A_66 = arith.muli %add3A_64, %mul3A_65 : i32
      "tpu.region"() ({
        %run_scoped3A = tpu.sem_alloc : memref<!tpu.dma_semaphore, #tpu.memory_space<semaphore_mem>>
        %dma_start3A_67 = arith.constant 0 : i32
        %dma_start3A_68 = tpu.memref_slice %arg8[%mul3A_66, %dma_start3A_67] : memref<10080x16xf32, #tpu.memory_space<vmem_shared>> -> memref<80x16xf32, #tpu.memory_space<vmem_shared>>
        %dma_start3A_69 = arith.constant 0 : i32
        %dma_start3A_70 = tpu.memref_slice %arg8[%mul3A_66, %dma_start3A_69] : memref<10080x16xf32, #tpu.memory_space<vmem_shared>> -> memref<80x16xf32, #tpu.memory_space<vmem_shared>>
        tpu.enqueue_dma source(%arg7 : memref<80x16xf32, #tpu.memory_space<vmem>>) target(%dma_start3A_70 : memref<80x16xf32, #tpu.memory_space<vmem_shared>>) target_semaphore(%run_scoped3A : memref<!tpu.dma_semaphore, #tpu.memory_space<semaphore_mem>>)
        %dma_wait3A = arith.constant 0 : i32
        %dma_wait3A_71 = tpu.memref_slice %arg8[%mul3A_66, %dma_wait3A] : memref<10080x16xf32, #tpu.memory_space<vmem_shared>> -> memref<80x16xf32, #tpu.memory_space<vmem_shared>>
        %dma_wait3A_72 = arith.constant 0 : i32
        %dma_wait3A_73 = tpu.memref_slice %arg8[%mul3A_66, %dma_wait3A_72] : memref<10080x16xf32, #tpu.memory_space<vmem_shared>> -> memref<80x16xf32, #tpu.memory_space<vmem_shared>>
        tpu.wait_dma2 semaphore(%run_scoped3A : memref<!tpu.dma_semaphore, #tpu.memory_space<semaphore_mem>>) src(%arg7 : memref<80x16xf32, #tpu.memory_space<vmem>>) dst(%dma_wait3A_73 : memref<80x16xf32, #tpu.memory_space<vmem_shared>>)
        tpu.yield
      }) : () -> ()
    }
    %barrier3A = arith.constant 0 : index
    tpu.barrier barrier_id(%barrier3A)
    %add3A_27 = arith.constant 0 : i32
    %add3A_28 = arith.addi %mul3A_2, %add3A_27 : i32
    %dma_start3A = arith.constant 0 : i32
    %dma_start3A_29 = tpu.memref_slice %arg2[%add3A_28, %dma_start3A] : memref<2560x128xi32, #tpu.memory_space<hbm>> -> memref<1x128xi32, #tpu.memory_space<hbm>>
    %dma_start3A_30 = arith.constant 0 : i32
    %dma_start3A_31 = tpu.memref_slice %arg2[%add3A_28, %dma_start3A_30] : memref<2560x128xi32, #tpu.memory_space<hbm>> -> memref<1x128xi32, #tpu.memory_space<hbm>>
    tpu.enqueue_dma source(%dma_start3A_31 : memref<1x128xi32, #tpu.memory_space<hbm>>) target(%arg5 : memref<1x128xi32, #tpu.memory_space<vmem>>) target_semaphore(%arg9 : memref<!tpu.dma_semaphore, #tpu.memory_space<semaphore_mem>>)
    %add3A_32 = arith.constant 1 : i32
    %add3A_33 = arith.addi %mul3A_2, %add3A_32 : i32
    %dma_start3A_34 = arith.constant 0 : i32
    %dma_start3A_35 = tpu.memref_slice %arg2[%add3A_33, %dma_start3A_34] : memref<2560x128xi32, #tpu.memory_space<hbm>> -> memref<1x128xi32, #tpu.memory_space<hbm>>
    %dma_start3A_36 = arith.constant 0 : i32
    %dma_start3A_37 = tpu.memref_slice %arg2[%add3A_33, %dma_start3A_36] : memref<2560x128xi32, #tpu.memory_space<hbm>> -> memref<1x128xi32, #tpu.memory_space<hbm>>
    tpu.enqueue_dma source(%dma_start3A_37 : memref<1x128xi32, #tpu.memory_space<hbm>>) target(%arg6 : memref<1x128xi32, #tpu.memory_space<vmem>>) target_semaphore(%arg10 : memref<!tpu.dma_semaphore, #tpu.memory_space<semaphore_mem>>)
    %scan3A_38 = arith.constant 0 : i32
    %scan3A_39 = arith.constant 40 : i32
    %scan3A_40 = arith.addi %scan3A_38, %scan3A_39 : i32
    %scan3A_41 = arith.constant 1 : i32
    scf.for %scan3A_62 = %scan3A_38 to %scan3A_40 step %scan3A_41  : i32 {
      %mul3A_63 = arith.constant 1 : i32
      %mul3A_64 = arith.muli %scan3A_62, %mul3A_63 : i32
      %add3A_65 = arith.constant 0 : i32
      %add3A_66 = arith.addi %add3A_65, %mul3A_64 : i32
      %dma_wait3A = arith.constant 0 : i32
      %dma_wait3A_67 = tpu.memref_slice %arg2[%mul3A_2, %dma_wait3A] : memref<2560x128xi32, #tpu.memory_space<hbm>> -> memref<1x128xi32, #tpu.memory_space<hbm>>
      %dma_wait3A_68 = arith.constant 0 : i32
      %dma_wait3A_69 = tpu.memref_slice %arg2[%mul3A_2, %dma_wait3A_68] : memref<2560x128xi32, #tpu.memory_space<hbm>> -> memref<1x128xi32, #tpu.memory_space<hbm>>
      tpu.wait_dma2 semaphore(%arg9 : memref<!tpu.dma_semaphore, #tpu.memory_space<semaphore_mem>>) src(%dma_wait3A_69 : memref<1x128xi32, #tpu.memory_space<hbm>>) dst(%arg5 : memref<1x128xi32, #tpu.memory_space<vmem>>)
      %run_scoped3A = arith.constant 0 : i32
      "tpu.region"() ({
        %run_scoped3A_82 = tpu.sem_alloc : memref<!tpu.dma_semaphore, #tpu.memory_space<semaphore_mem>>
        %dma_start3A_83 = arith.constant 0 : i32
        %dma_start3A_84 = tpu.memref_slice %arg5[%run_scoped3A, %dma_start3A_83] : memref<1x128xi32, #tpu.memory_space<vmem>> -> memref<1x128xi32, #tpu.memory_space<vmem>>
        %dma_start3A_85 = tpu.memref_squeeze %dma_start3A_84 : memref<1x128xi32, #tpu.memory_space<vmem>> -> memref<128xi32, #tpu.memory_space<vmem>>
        %dma_start3A_86 = arith.constant 0 : i32
        %dma_start3A_87 = arith.constant 0 : i32
        %dma_start3A_88 = tpu.memref_slice %arg8[%dma_start3A_86, %dma_start3A_87] : memref<10080x16xf32, #tpu.memory_space<vmem_shared>> -> memref<10080x16xf32, #tpu.memory_space<vmem_shared>>
        tpu.enqueue_indirect_dma source(%arg4 : memref<128x16xf32, #tpu.memory_space<vmem>>) target(%dma_start3A_88 : memref<10080x16xf32, #tpu.memory_space<vmem_shared>>) offsets(%dma_start3A_85 : memref<128xi32, #tpu.memory_space<vmem>>) semaphore(%run_scoped3A_82 : memref<!tpu.dma_semaphore, #tpu.memory_space<semaphore_mem>>) {add = true}
        %dma_wait3A_89 = arith.constant 0 : i32
        %dma_wait3A_90 = tpu.memref_slice %arg5[%run_scoped3A, %dma_wait3A_89] : memref<1x128xi32, #tpu.memory_space<vmem>> -> memref<1x128xi32, #tpu.memory_space<vmem>>
        %dma_wait3A_91 = tpu.memref_squeeze %dma_wait3A_90 : memref<1x128xi32, #tpu.memory_space<vmem>> -> memref<128xi32, #tpu.memory_space<vmem>>
        %dma_wait3A_92 = arith.constant 0 : i32
        %dma_wait3A_93 = arith.constant 0 : i32
        %dma_wait3A_94 = tpu.memref_slice %arg8[%dma_wait3A_92, %dma_wait3A_93] : memref<10080x16xf32, #tpu.memory_space<vmem_shared>> -> memref<10080x16xf32, #tpu.memory_space<vmem_shared>>
        tpu.wait_indirect_dma semaphore(%run_scoped3A_82 : memref<!tpu.dma_semaphore, #tpu.memory_space<semaphore_mem>>) src(%arg4 : memref<128x16xf32, #tpu.memory_space<vmem>>) dst(%dma_wait3A_94 : memref<10080x16xf32, #tpu.memory_space<vmem_shared>>)
        tpu.yield
      }) : () -> ()
      %lt3A = arith.constant 39 : i32
      %lt3A_70 = arith.cmpi slt, %add3A_66, %lt3A : i32
      %convert_element_type3A = arith.extui %lt3A_70 : i1 to i32
      %cond3A = arith.constant 0 : i32
      %cond3A_71 = arith.cmpi ne, %convert_element_type3A, %cond3A : i32
      scf.if %cond3A_71 {
        %mul3A_82 = arith.constant 2 : i32
        %mul3A_83 = arith.muli %mul3A_82, %add3A_66 : i32
        %add3A_84 = arith.constant 2 : i32
        %add3A_85 = arith.addi %mul3A_83, %add3A_84 : i32
        %add3A_86 = arith.addi %mul3A_2, %add3A_85 : i32
        %dma_start3A_87 = arith.constant 0 : i32
        %dma_start3A_88 = tpu.memref_slice %arg2[%add3A_86, %dma_start3A_87] : memref<2560x128xi32, #tpu.memory_space<hbm>> -> memref<1x128xi32, #tpu.memory_space<hbm>>
        %dma_start3A_89 = arith.constant 0 : i32
        %dma_start3A_90 = tpu.memref_slice %arg2[%add3A_86, %dma_start3A_89] : memref<2560x128xi32, #tpu.memory_space<hbm>> -> memref<1x128xi32, #tpu.memory_space<hbm>>
        tpu.enqueue_dma source(%dma_start3A_90 : memref<1x128xi32, #tpu.memory_space<hbm>>) target(%arg5 : memref<1x128xi32, #tpu.memory_space<vmem>>) target_semaphore(%arg9 : memref<!tpu.dma_semaphore, #tpu.memory_space<semaphore_mem>>)
      } else {
      }
      %dma_wait3A_72 = arith.constant 0 : i32
      %dma_wait3A_73 = tpu.memref_slice %arg2[%mul3A_2, %dma_wait3A_72] : memref<2560x128xi32, #tpu.memory_space<hbm>> -> memref<1x128xi32, #tpu.memory_space<hbm>>
      %dma_wait3A_74 = arith.constant 0 : i32
      %dma_wait3A_75 = tpu.memref_slice %arg2[%mul3A_2, %dma_wait3A_74] : memref<2560x128xi32, #tpu.memory_space<hbm>> -> memref<1x128xi32, #tpu.memory_space<hbm>>
      tpu.wait_dma2 semaphore(%arg10 : memref<!tpu.dma_semaphore, #tpu.memory_space<semaphore_mem>>) src(%dma_wait3A_75 : memref<1x128xi32, #tpu.memory_space<hbm>>) dst(%arg6 : memref<1x128xi32, #tpu.memory_space<vmem>>)
      %run_scoped3A_76 = arith.constant 0 : i32
      "tpu.region"() ({
        %run_scoped3A_82 = tpu.sem_alloc : memref<!tpu.dma_semaphore, #tpu.memory_space<semaphore_mem>>
        %dma_start3A_83 = arith.constant 0 : i32
        %dma_start3A_84 = tpu.memref_slice %arg6[%run_scoped3A_76, %dma_start3A_83] : memref<1x128xi32, #tpu.memory_space<vmem>> -> memref<1x128xi32, #tpu.memory_space<vmem>>
        %dma_start3A_85 = tpu.memref_squeeze %dma_start3A_84 : memref<1x128xi32, #tpu.memory_space<vmem>> -> memref<128xi32, #tpu.memory_space<vmem>>
        %dma_start3A_86 = arith.constant 0 : i32
        %dma_start3A_87 = arith.constant 0 : i32
        %dma_start3A_88 = tpu.memref_slice %arg8[%dma_start3A_86, %dma_start3A_87] : memref<10080x16xf32, #tpu.memory_space<vmem_shared>> -> memref<10080x16xf32, #tpu.memory_space<vmem_shared>>
        tpu.enqueue_indirect_dma source(%arg4 : memref<128x16xf32, #tpu.memory_space<vmem>>) target(%dma_start3A_88 : memref<10080x16xf32, #tpu.memory_space<vmem_shared>>) offsets(%dma_start3A_85 : memref<128xi32, #tpu.memory_space<vmem>>) semaphore(%run_scoped3A_82 : memref<!tpu.dma_semaphore, #tpu.memory_space<semaphore_mem>>) {add = true}
        %dma_wait3A_89 = arith.constant 0 : i32
        %dma_wait3A_90 = tpu.memref_slice %arg6[%run_scoped3A_76, %dma_wait3A_89] : memref<1x128xi32, #tpu.memory_space<vmem>> -> memref<1x128xi32, #tpu.memory_space<vmem>>
        %dma_wait3A_91 = tpu.memref_squeeze %dma_wait3A_90 : memref<1x128xi32, #tpu.memory_space<vmem>> -> memref<128xi32, #tpu.memory_space<vmem>>
        %dma_wait3A_92 = arith.constant 0 : i32
        %dma_wait3A_93 = arith.constant 0 : i32
        %dma_wait3A_94 = tpu.memref_slice %arg8[%dma_wait3A_92, %dma_wait3A_93] : memref<10080x16xf32, #tpu.memory_space<vmem_shared>> -> memref<10080x16xf32, #tpu.memory_space<vmem_shared>>
        tpu.wait_indirect_dma semaphore(%run_scoped3A_82 : memref<!tpu.dma_semaphore, #tpu.memory_space<semaphore_mem>>) src(%arg4 : memref<128x16xf32, #tpu.memory_space<vmem>>) dst(%dma_wait3A_94 : memref<10080x16xf32, #tpu.memory_space<vmem_shared>>)
        tpu.yield
      }) : () -> ()
      %lt3A_77 = arith.constant 39 : i32
      %lt3A_78 = arith.cmpi slt, %add3A_66, %lt3A_77 : i32
      %convert_element_type3A_79 = arith.extui %lt3A_78 : i1 to i32
      %cond3A_80 = arith.constant 0 : i32
      %cond3A_81 = arith.cmpi ne, %convert_element_type3A_79, %cond3A_80 : i32
      scf.if %cond3A_81 {
        %mul3A_82 = arith.constant 2 : i32
        %mul3A_83 = arith.muli %mul3A_82, %add3A_66 : i32
        %add3A_84 = arith.constant 3 : i32
        %add3A_85 = arith.addi %mul3A_83, %add3A_84 : i32
        %add3A_86 = arith.addi %mul3A_2, %add3A_85 : i32
        %dma_start3A_87 = arith.constant 0 : i32
        %dma_start3A_88 = tpu.memref_slice %arg2[%add3A_86, %dma_start3A_87] : memref<2560x128xi32, #tpu.memory_space<hbm>> -> memref<1x128xi32, #tpu.memory_space<hbm>>
        %dma_start3A_89 = arith.constant 0 : i32
        %dma_start3A_90 = tpu.memref_slice %arg2[%add3A_86, %dma_start3A_89] : memref<2560x128xi32, #tpu.memory_space<hbm>> -> memref<1x128xi32, #tpu.memory_space<hbm>>
        tpu.enqueue_dma source(%dma_start3A_90 : memref<1x128xi32, #tpu.memory_space<hbm>>) target(%arg6 : memref<1x128xi32, #tpu.memory_space<vmem>>) target_semaphore(%arg10 : memref<!tpu.dma_semaphore, #tpu.memory_space<semaphore_mem>>)
      } else {
      }
    }
    %scan3A_42 = arith.constant 40 : i32
    %barrier3A_43 = arith.constant 0 : index
    tpu.barrier barrier_id(%barrier3A_43)
    %sub3A_44 = arith.constant 126 : i32
    %sub3A_45 = arith.subi %sub3A_44, %arg1 : i32
    %sub3A_46 = arith.constant 16 : i32
    %sub3A_47 = arith.constant 1 : i32
    %sub3A_48 = arith.subi %sub3A_46, %sub3A_47 : i32
    %add3A_49 = arith.addi %sub3A_45, %sub3A_48 : i32
    %div3A_50 = arith.constant 16 : i32
    %div3A_51 = arith.divsi %add3A_49, %div3A_50 : i32
    %while3A_52 = arith.constant 16 : i32
    %while3A_53 = arith.constant 0 : i32
    %while3A_54 = arith.subi %div3A_51, %while3A_53 : i32
    %while3A_55 = arith.addi %while3A_53, %while3A_54 : i32
    %while3A_56 = arith.constant 1 : i32
    %while3A_57 = arith.divsi %while3A_54, %while3A_56 : i32
    %while3A_58 = arith.muli %while3A_57, %while3A_56 : i32
    %while3A_59 = arith.addi %while3A_53, %while3A_58 : i32
    %while3A_60 = arith.constant 1 : i32
    scf.for %while3A_62 = %while3A_53 to %while3A_59 step %while3A_60  : i32 {
      %mul3A_63 = arith.muli %while3A_62, %while3A_52 : i32
      %add3A_64 = arith.addi %arg1, %mul3A_63 : i32
      %mul3A_65 = arith.constant 80 : i32
      %mul3A_66 = arith.muli %add3A_64, %mul3A_65 : i32
      %mul3A_67 = arith.constant 80 : i32
      %mul3A_68 = arith.muli %add3A_64, %mul3A_67 : i32
      "tpu.region"() ({
        %run_scoped3A = tpu.sem_alloc : memref<!tpu.dma_semaphore, #tpu.memory_space<semaphore_mem>>
        %dma_start3A_69 = arith.constant 0 : i32
        %dma_start3A_70 = arith.constant 0 : i32
        %dma_start3A_71 = tpu.memref_slice %arg3[%arg0, %dma_start3A_69, %dma_start3A_70] : memref<2x10080x16xf32, #tpu.memory_space<hbm>> -> memref<1x10080x16xf32, #tpu.memory_space<hbm>>
        %dma_start3A_72 = tpu.memref_squeeze %dma_start3A_71 : memref<1x10080x16xf32, #tpu.memory_space<hbm>> -> memref<10080x16xf32, #tpu.memory_space<hbm>>
        %dma_start3A_73 = arith.constant 0 : i32
        %dma_start3A_74 = tpu.memref_slice %dma_start3A_72[%mul3A_68, %dma_start3A_73] : memref<10080x16xf32, #tpu.memory_space<hbm>> -> memref<80x16xf32, #tpu.memory_space<hbm>>
        %dma_start3A_75 = arith.constant 0 : i32
        %dma_start3A_76 = tpu.memref_slice %arg8[%mul3A_66, %dma_start3A_75] : memref<10080x16xf32, #tpu.memory_space<vmem_shared>> -> memref<80x16xf32, #tpu.memory_space<vmem_shared>>
        tpu.enqueue_dma source(%dma_start3A_76 : memref<80x16xf32, #tpu.memory_space<vmem_shared>>) target(%dma_start3A_74 : memref<80x16xf32, #tpu.memory_space<hbm>>) target_semaphore(%run_scoped3A : memref<!tpu.dma_semaphore, #tpu.memory_space<semaphore_mem>>)
        %dma_wait3A = arith.constant 0 : i32
        %dma_wait3A_77 = arith.constant 0 : i32
        %dma_wait3A_78 = tpu.memref_slice %arg3[%arg0, %dma_wait3A, %dma_wait3A_77] : memref<2x10080x16xf32, #tpu.memory_space<hbm>> -> memref<1x10080x16xf32, #tpu.memory_space<hbm>>
        %dma_wait3A_79 = tpu.memref_squeeze %dma_wait3A_78 : memref<1x10080x16xf32, #tpu.memory_space<hbm>> -> memref<10080x16xf32, #tpu.memory_space<hbm>>
        %dma_wait3A_80 = arith.constant 0 : i32
        %dma_wait3A_81 = tpu.memref_slice %dma_wait3A_79[%mul3A_68, %dma_wait3A_80] : memref<10080x16xf32, #tpu.memory_space<hbm>> -> memref<80x16xf32, #tpu.memory_space<hbm>>
        %dma_wait3A_82 = arith.constant 0 : i32
        %dma_wait3A_83 = tpu.memref_slice %arg8[%mul3A_66, %dma_wait3A_82] : memref<10080x16xf32, #tpu.memory_space<vmem_shared>> -> memref<80x16xf32, #tpu.memory_space<vmem_shared>>
        tpu.wait_dma2 semaphore(%run_scoped3A : memref<!tpu.dma_semaphore, #tpu.memory_space<semaphore_mem>>) src(%dma_wait3A_83 : memref<80x16xf32, #tpu.memory_space<vmem_shared>>) dst(%dma_wait3A_81 : memref<80x16xf32, #tpu.memory_space<hbm>>)
        tpu.yield
      }) : () -> ()
    }
    %while3A_61 = arith.constant 1 : i32
    scf.for %while3A_62 = %while3A_59 to %while3A_55 step %while3A_61  : i32 {
      %mul3A_63 = arith.muli %while3A_62, %while3A_52 : i32
      %add3A_64 = arith.addi %arg1, %mul3A_63 : i32
      %mul3A_65 = arith.constant 80 : i32
      %mul3A_66 = arith.muli %add3A_64, %mul3A_65 : i32
      %mul3A_67 = arith.constant 80 : i32
      %mul3A_68 = arith.muli %add3A_64, %mul3A_67 : i32
      "tpu.region"() ({
        %run_scoped3A = tpu.sem_alloc : memref<!tpu.dma_semaphore, #tpu.memory_space<semaphore_mem>>
        %dma_start3A_69 = arith.constant 0 : i32
        %dma_start3A_70 = arith.constant 0 : i32
        %dma_start3A_71 = tpu.memref_slice %arg3[%arg0, %dma_start3A_69, %dma_start3A_70] : memref<2x10080x16xf32, #tpu.memory_space<hbm>> -> memref<1x10080x16xf32, #tpu.memory_space<hbm>>
        %dma_start3A_72 = tpu.memref_squeeze %dma_start3A_71 : memref<1x10080x16xf32, #tpu.memory_space<hbm>> -> memref<10080x16xf32, #tpu.memory_space<hbm>>
        %dma_start3A_73 = arith.constant 0 : i32
        %dma_start3A_74 = tpu.memref_slice %dma_start3A_72[%mul3A_68, %dma_start3A_73] : memref<10080x16xf32, #tpu.memory_space<hbm>> -> memref<80x16xf32, #tpu.memory_space<hbm>>
        %dma_start3A_75 = arith.constant 0 : i32
        %dma_start3A_76 = tpu.memref_slice %arg8[%mul3A_66, %dma_start3A_75] : memref<10080x16xf32, #tpu.memory_space<vmem_shared>> -> memref<80x16xf32, #tpu.memory_space<vmem_shared>>
        tpu.enqueue_dma source(%dma_start3A_76 : memref<80x16xf32, #tpu.memory_space<vmem_shared>>) target(%dma_start3A_74 : memref<80x16xf32, #tpu.memory_space<hbm>>) target_semaphore(%run_scoped3A : memref<!tpu.dma_semaphore, #tpu.memory_space<semaphore_mem>>)
        %dma_wait3A = arith.constant 0 : i32
        %dma_wait3A_77 = arith.constant 0 : i32
        %dma_wait3A_78 = tpu.memref_slice %arg3[%arg0, %dma_wait3A, %dma_wait3A_77] : memref<2x10080x16xf32, #tpu.memory_space<hbm>> -> memref<1x10080x16xf32, #tpu.memory_space<hbm>>
        %dma_wait3A_79 = tpu.memref_squeeze %dma_wait3A_78 : memref<1x10080x16xf32, #tpu.memory_space<hbm>> -> memref<10080x16xf32, #tpu.memory_space<hbm>>
        %dma_wait3A_80 = arith.constant 0 : i32
        %dma_wait3A_81 = tpu.memref_slice %dma_wait3A_79[%mul3A_68, %dma_wait3A_80] : memref<10080x16xf32, #tpu.memory_space<hbm>> -> memref<80x16xf32, #tpu.memory_space<hbm>>
        %dma_wait3A_82 = arith.constant 0 : i32
        %dma_wait3A_83 = tpu.memref_slice %arg8[%mul3A_66, %dma_wait3A_82] : memref<10080x16xf32, #tpu.memory_space<vmem_shared>> -> memref<80x16xf32, #tpu.memory_space<vmem_shared>>
        tpu.wait_dma2 semaphore(%run_scoped3A : memref<!tpu.dma_semaphore, #tpu.memory_space<semaphore_mem>>) src(%dma_wait3A_83 : memref<80x16xf32, #tpu.memory_space<vmem_shared>>) dst(%dma_wait3A_81 : memref<80x16xf32, #tpu.memory_space<hbm>>)
        tpu.yield
      }) : () -> ()
    }
    return
  }
}

module attributes {stable_mosaic.version = 14 : i64} {
  func.func @_tc_mm1_body(%arg0: i32, %arg1: memref<1000x128xf32, #tpu.memory_space<vmem>>, %arg2: memref<128x128xf32, #tpu.memory_space<vmem>>, %arg3: memref<1000x128xf32, #tpu.memory_space<vmem>>) attributes {dimension_semantics = [#tpu.dimension_semantics<arbitrary>], iteration_bounds = array<i64: 10>, scalar_prefetch = 0 : i64, scratch_operands = 0 : i64, tpu.core_type = #tpu.core_type<tc>, window_params = [{transform_indices = @transform_0, window_bounds = array<i64: 1000, 128>}, {pipeline_mode = #tpu.pipeline_mode<synchronous>, transform_indices = @transform_1, window_bounds = array<i64: 128, 128>}, {transform_indices = @transform_2, window_bounds = array<i64: 1000, 128>}]} {
    %get3A = arith.constant 0 : index
    %get3A_0 = arith.constant 0 : index
    %get3A_1 = vector.load %arg1[%get3A, %get3A_0] : memref<1000x128xf32, #tpu.memory_space<vmem>>, vector<1000x128xf32>
    %get3A_2 = arith.constant 0 : index
    %get3A_3 = arith.constant 0 : index
    %get3A_4 = vector.load %arg2[%get3A_2, %get3A_3] : memref<128x128xf32, #tpu.memory_space<vmem>>, vector<128x128xf32>
    %dot_general3A = arith.constant dense<0.000000e+00> : vector<1000x128xf32>
    %dot_general3A_5 = tpu.matmul %get3A_1, %get3A_4, %dot_general3A {dimension_numbers = #tpu.dot_dimension_numbers<[1], [0], [0], [1], [0, 0, 1, 1], [], []>, transpose_lhs_hint = false} : vector<1000x128xf32>, vector<128x128xf32>, vector<1000x128xf32> -> vector<1000x128xf32>
    %swap3A = arith.constant 0 : index
    %swap3A_6 = arith.constant 0 : index
    %swap3A_7 = vector.load %arg3[%swap3A, %swap3A_6] : memref<1000x128xf32, #tpu.memory_space<vmem>>, vector<1000x128xf32>
    tpu.vector_store %arg3[%swap3A, %swap3A_6], %dot_general3A_5 {strides = array<i32>} : memref<1000x128xf32, #tpu.memory_space<vmem>>, vector<1000x128xf32>,
    return
  }
  func.func @transform_0(%arg0: i32) -> (i32, i32) {
    %c0_i32 = arith.constant 0 : i32
    %c0_i32_0 = arith.constant 0 : i32
    return %arg0, %c0_i32 : i32, i32
  }
  func.func @transform_1(%arg0: i32) -> (i32, i32) {
    %c0_i32 = arith.constant 0 : i32
    %c0_i32_0 = arith.constant 0 : i32
    %c0_i32_1 = arith.constant 0 : i32
    return %c0_i32, %c0_i32_0 : i32, i32
  }
  func.func @transform_2(%arg0: i32) -> (i32, i32) {
    %c0_i32 = arith.constant 0 : i32
    %c0_i32_0 = arith.constant 0 : i32
    return %arg0, %c0_i32 : i32, i32
  }
}

module attributes {stable_mosaic.version = 14 : i64} {
  func.func @_tc_scale_body(%arg0: i32, %arg1: memref<2x1000x16xf32, #tpu.memory_space<vmem>>, %arg2: memref<1000x128xf32, #tpu.memory_space<vmem>>, %arg3: memref<1000x16xf32, #tpu.memory_space<vmem>>, %arg4: memref<1000x128xf32, #tpu.memory_space<vmem>>) attributes {dimension_semantics = [#tpu.dimension_semantics<arbitrary>], iteration_bounds = array<i64: 10>, scalar_prefetch = 0 : i64, scratch_operands = 0 : i64, tpu.core_type = #tpu.core_type<tc>, window_params = [{transform_indices = @transform_0, window_bounds = array<i64: 2, 1000, 16>}, {transform_indices = @transform_1, window_bounds = array<i64: 1000, 128>}, {transform_indices = @transform_2, window_bounds = array<i64: 1000, 16>}, {transform_indices = @transform_3, window_bounds = array<i64: 1000, 128>}]} {
    %get3A = arith.constant 0 : index
    %get3A_0 = arith.constant 0 : index
    %get3A_1 = arith.constant 0 : index
    %get3A_2 = vector.load %arg1[%get3A, %get3A_0, %get3A_1] : memref<2x1000x16xf32, #tpu.memory_space<vmem>>, vector<1x1000x16xf32>
    %get3A_3 = vector.shape_cast %get3A_2 : vector<1x1000x16xf32> to vector<1000x16xf32>
    %get3A_4 = arith.constant 1 : index
    %get3A_5 = arith.constant 0 : index
    %get3A_6 = arith.constant 0 : index
    %get3A_7 = vector.load %arg1[%get3A_4, %get3A_5, %get3A_6] : memref<2x1000x16xf32, #tpu.memory_space<vmem>>, vector<1x1000x16xf32>
    %get3A_8 = vector.shape_cast %get3A_7 : vector<1x1000x16xf32> to vector<1000x16xf32>
    %add3A = arith.addf %get3A_3, %get3A_8 : vector<1000x16xf32>
    %add3A_9 = arith.constant 1.000000e+00 : f32
    %add3A_10 = vector.broadcast %add3A_9 : f32 to vector<1000x16xf32>
    %add3A_11 = arith.addf %add3A, %add3A_10 : vector<1000x16xf32>
    %rsqrt3A = math.rsqrt %add3A_11 : vector<1000x16xf32>
    %swap3A = arith.constant 0 : index
    %swap3A_12 = arith.constant 0 : index
    %swap3A_13 = vector.load %arg3[%swap3A, %swap3A_12] : memref<1000x16xf32, #tpu.memory_space<vmem>>, vector<1000x16xf32>
    tpu.vector_store %arg3[%swap3A, %swap3A_12], %rsqrt3A {strides = array<i32>} : memref<1000x16xf32, #tpu.memory_space<vmem>>, vector<1000x16xf32>,
    %get3A_14 = arith.constant 0 : index
    %get3A_15 = arith.constant 0 : index
    %get3A_16 = vector.load %arg2[%get3A_14, %get3A_15] : memref<1000x128xf32, #tpu.memory_space<vmem>>, vector<1000x128xf32>
    %slice3A = vector.extract_strided_slice %rsqrt3A {offsets = [0, 0], sizes = [1000, 1], strides = [1, 1]} : vector<1000x16xf32> to vector<1000x1xf32>
    %mul3A = vector.broadcast %slice3A : vector<1000x1xf32> to vector<1000x128xf32>
    %mul3A_17 = arith.mulf %get3A_16, %mul3A : vector<1000x128xf32>
    %swap3A_18 = arith.constant 0 : index
    %swap3A_19 = arith.constant 0 : index
    %swap3A_20 = vector.load %arg4[%swap3A_18, %swap3A_19] : memref<1000x128xf32, #tpu.memory_space<vmem>>, vector<1000x128xf32>
    tpu.vector_store %arg4[%swap3A_18, %swap3A_19], %mul3A_17 {strides = array<i32>} : memref<1000x128xf32, #tpu.memory_space<vmem>>, vector<1000x128xf32>,
    return
  }
  func.func @transform_0(%arg0: i32) -> (i32, i32, i32) {
    %c0_i32 = arith.constant 0 : i32
    %c0_i32_0 = arith.constant 0 : i32
    %c0_i32_1 = arith.constant 0 : i32
    return %c0_i32, %arg0, %c0_i32_0 : i32, i32, i32
  }
  func.func @transform_1(%arg0: i32) -> (i32, i32) {
    %c0_i32 = arith.constant 0 : i32
    %c0_i32_0 = arith.constant 0 : i32
    return %arg0, %c0_i32 : i32, i32
  }
  func.func @transform_2(%arg0: i32) -> (i32, i32) {
    %c0_i32 = arith.constant 0 : i32
    %c0_i32_0 = arith.constant 0 : i32
    return %arg0, %c0_i32 : i32, i32
  }
  func.func @transform_3(%arg0: i32) -> (i32, i32) {
    %c0_i32 = arith.constant 0 : i32
    %c0_i32_0 = arith.constant 0 : i32
    return %arg0, %c0_i32 : i32, i32
  }
}

module attributes {stable_mosaic.version = 14 : i64} {
  func.func @_tc_mid_body(%arg0: i32, %arg1: memref<2x1000x128xf32, #tpu.memory_space<vmem>>, %arg2: memref<1000x128xf32, #tpu.memory_space<vmem>>, %arg3: memref<1000x16xf32, #tpu.memory_space<vmem>>, %arg4: memref<1x128xf32, #tpu.memory_space<vmem>>, %arg5: memref<1x128xf32, #tpu.memory_space<vmem>>, %arg6: memref<1x128xf32, #tpu.memory_space<vmem>>, %arg7: memref<128x16xf32, #tpu.memory_space<vmem>>, %arg8: memref<1000x16xf32, #tpu.memory_space<vmem>>, %arg9: memref<1000x16xf32, #tpu.memory_space<vmem>>) attributes {dimension_semantics = [#tpu.dimension_semantics<arbitrary>], iteration_bounds = array<i64: 10>, scalar_prefetch = 0 : i64, scratch_operands = 0 : i64, tpu.core_type = #tpu.core_type<tc>, window_params = [{transform_indices = @transform_0, window_bounds = array<i64: 2, 1000, 128>}, {transform_indices = @transform_1, window_bounds = array<i64: 1000, 128>}, {transform_indices = @transform_2, window_bounds = array<i64: 1000, 16>}, {pipeline_mode = #tpu.pipeline_mode<synchronous>, transform_indices = @transform_3, window_bounds = array<i64: 1, 128>}, {pipeline_mode = #tpu.pipeline_mode<synchronous>, transform_indices = @transform_4, window_bounds = array<i64: 1, 128>}, {pipeline_mode = #tpu.pipeline_mode<synchronous>, transform_indices = @transform_5, window_bounds = array<i64: 1, 128>}, {pipeline_mode = #tpu.pipeline_mode<synchronous>, transform_indices = @transform_6, window_bounds = array<i64: 128, 16>}, {transform_indices = @transform_7, window_bounds = array<i64: 1000, 16>}, {transform_indices = @transform_8, window_bounds = array<i64: 1000, 16>}]} {
    %get3A = arith.constant 0 : index
    %get3A_0 = arith.constant 0 : index
    %get3A_1 = vector.load %arg3[%get3A, %get3A_0] : memref<1000x16xf32, #tpu.memory_space<vmem>>, vector<1000x1xf32>
    %get3A_2 = arith.constant 0 : index
    %get3A_3 = arith.constant 0 : index
    %get3A_4 = arith.constant 0 : index
    %get3A_5 = vector.load %arg1[%get3A_2, %get3A_3, %get3A_4] : memref<2x1000x128xf32, #tpu.memory_space<vmem>>, vector<1x1000x128xf32>
    %get3A_6 = vector.shape_cast %get3A_5 : vector<1x1000x128xf32> to vector<1000x128xf32>
    %get3A_7 = arith.constant 1 : index
    %get3A_8 = arith.constant 0 : index
    %get3A_9 = arith.constant 0 : index
    %get3A_10 = vector.load %arg1[%get3A_7, %get3A_8, %get3A_9] : memref<2x1000x128xf32, #tpu.memory_space<vmem>>, vector<1x1000x128xf32>
    %get3A_11 = vector.shape_cast %get3A_10 : vector<1x1000x128xf32> to vector<1000x128xf32>
    %add3A = arith.addf %get3A_6, %get3A_11 : vector<1000x128xf32>
    %mul3A = vector.broadcast %get3A_1 : vector<1000x1xf32> to vector<1000x128xf32>
    %mul3A_12 = arith.mulf %add3A, %mul3A : vector<1000x128xf32>
    %get3A_13 = arith.constant 0 : index
    %get3A_14 = arith.constant 0 : index
    %get3A_15 = vector.load %arg2[%get3A_13, %get3A_14] : memref<1000x128xf32, #tpu.memory_space<vmem>>, vector<1000x128xf32>
    %mul3A_16 = arith.mulf %get3A_1, %get3A_1 : vector<1000x1xf32>
    %mul3A_17 = vector.broadcast %mul3A_16 : vector<1000x1xf32> to vector<1000x128xf32>
    %mul3A_18 = arith.mulf %get3A_15, %mul3A_17 : vector<1000x128xf32>
    %add3A_19 = arith.addf %mul3A_12, %mul3A_18 : vector<1000x128xf32>
    %get3A_20 = arith.constant 0 : index
    %get3A_21 = arith.constant 0 : index
    %get3A_22 = vector.load %arg4[%get3A_20, %get3A_21] : memref<1x128xf32, #tpu.memory_space<vmem>>, vector<1x128xf32>
    %add3A_23 = vector.broadcast %get3A_22 : vector<1x128xf32> to vector<1000x128xf32>
    %add3A_24 = arith.addf %add3A_19, %add3A_23 : vector<1000x128xf32>
    %max3A = arith.constant 0.000000e+00 : f32
    %max3A_25 = vector.broadcast %max3A : f32 to vector<1000x128xf32>
    %max3A_26 = arith.maximumf %add3A_24, %max3A_25 : vector<1000x128xf32>
    %get3A_27 = arith.constant 0 : index
    %get3A_28 = arith.constant 0 : index
    %get3A_29 = vector.load %arg5[%get3A_27, %get3A_28] : memref<1x128xf32, #tpu.memory_space<vmem>>, vector<1x128xf32>
    %rsqrt3A = arith.constant 1.000010e+00 : f32
    %rsqrt3A_30 = math.rsqrt %rsqrt3A : f32
    %mul3A_31 = vector.broadcast %rsqrt3A_30 : f32 to vector<1x128xf32>
    %mul3A_32 = arith.mulf %get3A_29, %mul3A_31 : vector<1x128xf32>
    %mul3A_33 = vector.broadcast %mul3A_32 : vector<1x128xf32> to vector<1000x128xf32>
    %mul3A_34 = arith.mulf %max3A_26, %mul3A_33 : vector<1000x128xf32>
    %get3A_35 = arith.constant 0 : index
    %get3A_36 = arith.constant 0 : index
    %get3A_37 = vector.load %arg6[%get3A_35, %get3A_36] : memref<1x128xf32, #tpu.memory_space<vmem>>, vector<1x128xf32>
    %add3A_38 = vector.broadcast %get3A_37 : vector<1x128xf32> to vector<1000x128xf32>
    %add3A_39 = arith.addf %mul3A_34, %add3A_38 : vector<1000x128xf32>
    %get3A_40 = arith.constant 0 : index
    %get3A_41 = arith.constant 0 : index
    %get3A_42 = vector.load %arg7[%get3A_40, %get3A_41] : memref<128x16xf32, #tpu.memory_space<vmem>>, vector<128x16xf32>
    %dot_general3A = arith.constant dense<0.000000e+00> : vector<1000x16xf32>
    %dot_general3A_43 = tpu.matmul %add3A_39, %get3A_42, %dot_general3A {dimension_numbers = #tpu.dot_dimension_numbers<[1], [0], [0], [1], [0, 0, 1, 1], [], []>, transpose_lhs_hint = false} : vector<1000x128xf32>, vector<128x16xf32>, vector<1000x16xf32> -> vector<1000x16xf32>
    %swap3A = arith.constant 0 : index
    %swap3A_44 = arith.constant 0 : index
    %swap3A_45 = vector.load %arg8[%swap3A, %swap3A_44] : memref<1000x16xf32, #tpu.memory_space<vmem>>, vector<1000x16xf32>
    tpu.vector_store %arg8[%swap3A, %swap3A_44], %dot_general3A_43 {strides = array<i32>} : memref<1000x16xf32, #tpu.memory_space<vmem>>, vector<1000x16xf32>,
    %mul3A_46 = vector.broadcast %get3A_1 : vector<1000x1xf32> to vector<1000x16xf32>
    %mul3A_47 = arith.mulf %dot_general3A_43, %mul3A_46 : vector<1000x16xf32>
    %swap3A_48 = arith.constant 0 : index
    %swap3A_49 = arith.constant 0 : index
    %swap3A_50 = vector.load %arg9[%swap3A_48, %swap3A_49] : memref<1000x16xf32, #tpu.memory_space<vmem>>, vector<1000x16xf32>
    tpu.vector_store %arg9[%swap3A_48, %swap3A_49], %mul3A_47 {strides = array<i32>} : memref<1000x16xf32, #tpu.memory_space<vmem>>, vector<1000x16xf32>,
    return
  }
  func.func @transform_0(%arg0: i32) -> (i32, i32, i32) {
    %c0_i32 = arith.constant 0 : i32
    %c0_i32_0 = arith.constant 0 : i32
    %c0_i32_1 = arith.constant 0 : i32
    return %c0_i32, %arg0, %c0_i32_0 : i32, i32, i32
  }
  func.func @transform_1(%arg0: i32) -> (i32, i32) {
    %c0_i32 = arith.constant 0 : i32
    %c0_i32_0 = arith.constant 0 : i32
    return %arg0, %c0_i32 : i32, i32
  }
  func.func @transform_2(%arg0: i32) -> (i32, i32) {
    %c0_i32 = arith.constant 0 : i32
    %c0_i32_0 = arith.constant 0 : i32
    return %arg0, %c0_i32 : i32, i32
  }
  func.func @transform_3(%arg0: i32) -> (i32, i32) {
    %c0_i32 = arith.constant 0 : i32
    %c0_i32_0 = arith.constant 0 : i32
    %c0_i32_1 = arith.constant 0 : i32
    return %c0_i32, %c0_i32_0 : i32, i32
  }
  func.func @transform_4(%arg0: i32) -> (i32, i32) {
    %c0_i32 = arith.constant 0 : i32
    %c0_i32_0 = arith.constant 0 : i32
    %c0_i32_1 = arith.constant 0 : i32
    return %c0_i32, %c0_i32_0 : i32, i32
  }
  func.func @transform_5(%arg0: i32) -> (i32, i32) {
    %c0_i32 = arith.constant 0 : i32
    %c0_i32_0 = arith.constant 0 : i32
    %c0_i32_1 = arith.constant 0 : i32
    return %c0_i32, %c0_i32_0 : i32, i32
  }
  func.func @transform_6(%arg0: i32) -> (i32, i32) {
    %c0_i32 = arith.constant 0 : i32
    %c0_i32_0 = arith.constant 0 : i32
    %c0_i32_1 = arith.constant 0 : i32
    return %c0_i32, %c0_i32_0 : i32, i32
  }
  func.func @transform_7(%arg0: i32) -> (i32, i32) {
    %c0_i32 = arith.constant 0 : i32
    %c0_i32_0 = arith.constant 0 : i32
    return %arg0, %c0_i32 : i32, i32
  }
  func.func @transform_8(%arg0: i32) -> (i32, i32) {
    %c0_i32 = arith.constant 0 : i32
    %c0_i32_0 = arith.constant 0 : i32
    return %arg0, %c0_i32 : i32, i32
  }
}

module attributes {stable_mosaic.version = 14 : i64} {
  func.func @_tc_fin_body(%arg0: i32, %arg1: memref<2x1000x16xf32, #tpu.memory_space<vmem>>, %arg2: memref<1000x16xf32, #tpu.memory_space<vmem>>, %arg3: memref<1000x16xf32, #tpu.memory_space<vmem>>, %arg4: memref<1x16xf32, #tpu.memory_space<vmem>>, %arg5: memref<1000x16xf32, #tpu.memory_space<vmem>>) attributes {dimension_semantics = [#tpu.dimension_semantics<arbitrary>], iteration_bounds = array<i64: 10>, scalar_prefetch = 0 : i64, scratch_operands = 0 : i64, tpu.core_type = #tpu.core_type<tc>, window_params = [{transform_indices = @transform_0, window_bounds = array<i64: 2, 1000, 16>}, {transform_indices = @transform_1, window_bounds = array<i64: 1000, 16>}, {transform_indices = @transform_2, window_bounds = array<i64: 1000, 16>}, {pipeline_mode = #tpu.pipeline_mode<synchronous>, transform_indices = @transform_3, window_bounds = array<i64: 1, 16>}, {transform_indices = @transform_4, window_bounds = array<i64: 1000, 16>}]} {
    %get3A = arith.constant 0 : index
    %get3A_0 = arith.constant 0 : index
    %get3A_1 = vector.load %arg3[%get3A, %get3A_0] : memref<1000x16xf32, #tpu.memory_space<vmem>>, vector<1000x1xf32>
    %get3A_2 = arith.constant 0 : index
    %get3A_3 = arith.constant 0 : index
    %get3A_4 = arith.constant 0 : index
    %get3A_5 = vector.load %arg1[%get3A_2, %get3A_3, %get3A_4] : memref<2x1000x16xf32, #tpu.memory_space<vmem>>, vector<1x1000x16xf32>
    %get3A_6 = vector.shape_cast %get3A_5 : vector<1x1000x16xf32> to vector<1000x16xf32>
    %get3A_7 = arith.constant 1 : index
    %get3A_8 = arith.constant 0 : index
    %get3A_9 = arith.constant 0 : index
    %get3A_10 = vector.load %arg1[%get3A_7, %get3A_8, %get3A_9] : memref<2x1000x16xf32, #tpu.memory_space<vmem>>, vector<1x1000x16xf32>
    %get3A_11 = vector.shape_cast %get3A_10 : vector<1x1000x16xf32> to vector<1000x16xf32>
    %add3A = arith.addf %get3A_6, %get3A_11 : vector<1000x16xf32>
    %mul3A = vector.broadcast %get3A_1 : vector<1000x1xf32> to vector<1000x16xf32>
    %mul3A_12 = arith.mulf %add3A, %mul3A : vector<1000x16xf32>
    %get3A_13 = arith.constant 0 : index
    %get3A_14 = arith.constant 0 : index
    %get3A_15 = vector.load %arg2[%get3A_13, %get3A_14] : memref<1000x16xf32, #tpu.memory_space<vmem>>, vector<1000x16xf32>
    %mul3A_16 = arith.mulf %get3A_1, %get3A_1 : vector<1000x1xf32>
    %mul3A_17 = vector.broadcast %mul3A_16 : vector<1000x1xf32> to vector<1000x16xf32>
    %mul3A_18 = arith.mulf %get3A_15, %mul3A_17 : vector<1000x16xf32>
    %add3A_19 = arith.addf %mul3A_12, %mul3A_18 : vector<1000x16xf32>
    %get3A_20 = arith.constant 0 : index
    %get3A_21 = arith.constant 0 : index
    %get3A_22 = vector.load %arg4[%get3A_20, %get3A_21] : memref<1x16xf32, #tpu.memory_space<vmem>>, vector<1x16xf32>
    %add3A_23 = vector.broadcast %get3A_22 : vector<1x16xf32> to vector<1000x16xf32>
    %add3A_24 = arith.addf %add3A_19, %add3A_23 : vector<1000x16xf32>
    %swap3A = arith.constant 0 : index
    %swap3A_25 = arith.constant 0 : index
    %swap3A_26 = vector.load %arg5[%swap3A, %swap3A_25] : memref<1000x16xf32, #tpu.memory_space<vmem>>, vector<1000x16xf32>
    tpu.vector_store %arg5[%swap3A, %swap3A_25], %add3A_24 {strides = array<i32>} : memref<1000x16xf32, #tpu.memory_space<vmem>>, vector<1000x16xf32>,
    return
  }
  func.func @transform_0(%arg0: i32) -> (i32, i32, i32) {
    %c0_i32 = arith.constant 0 : i32
    %c0_i32_0 = arith.constant 0 : i32
    %c0_i32_1 = arith.constant 0 : i32
    return %c0_i32, %arg0, %c0_i32_0 : i32, i32, i32
  }
  func.func @transform_1(%arg0: i32) -> (i32, i32) {
    %c0_i32 = arith.constant 0 : i32
    %c0_i32_0 = arith.constant 0 : i32
    return %arg0, %c0_i32 : i32, i32
  }
  func.func @transform_2(%arg0: i32) -> (i32, i32) {
    %c0_i32 = arith.constant 0 : i32
    %c0_i32_0 = arith.constant 0 : i32
    return %arg0, %c0_i32 : i32, i32
  }
  func.func @transform_3(%arg0: i32) -> (i32, i32) {
    %c0_i32 = arith.constant 0 : i32
    %c0_i32_0 = arith.constant 0 : i32
    %c0_i32_1 = arith.constant 0 : i32
    return %c0_i32, %c0_i32_0 : i32, i32
  }
  func.func @transform_4(%arg0: i32) -> (i32, i32) {
    %c0_i32 = arith.constant 0 : i32
    %c0_i32_0 = arith.constant 0 : i32
    return %arg0, %c0_i32 : i32, i32
  }
}

</mosaic_0001>

<sc_bundles>
// kernel: kernel.12.cloned.1.call-start
scs
__scs_entry_jumppad:
0x0: {  	(pc) =	sbr.rel $0x88, $3  }
0x1: {  	(tag) =	ssettag $0x0;
	lr =	simm.s32 $0x1  }
0x2: {  	[smem:$0x3F99] =	sst lr;
	_ =	strace $0xD0000000  }
0x3: {  	_ = 	snop  }
0x4: {  	_ = 	snop  }
0x5: {  	_ = 	snop  }
0x6: {  	_ = 	snop  }
0x7: {  	_ = 	snop  }
__scs_overlays_trampoline_lowered:
0x8: {  	[smem:$0x3FA8] =	sst s0  }
0x9: {  	[smem:$0x3FA9] =	sst s1  }
0xa: {  	[smem:$0x3FAA] =	sst s2  }
0xb: {  	[smem:$0x3FAB] =	sst s3  }
0xc: {  	[smem:$0x3FAC] =	sst s4  }
0xd: {  	[smem:$0x3FAD] =	sst s5  }
0xe: {  	[smem:$0x3FAE] =	sst s6  }
0xf: {  	[smem:$0x3FAF] =	sst s7  }
0x10: {  	[smem:$0x3FB0] =	sst s8  }
0x11: {  	[smem:$0x3FB1] =	sst s9;
	s0 =	simm.s32 @!p0 $0x0  }
0x12: {  	s1 =	sld [smem:$0x3F97];
	s0 =	simm.s32 @p0 $0x1  }
0x13: {  	[smem:$0x3FB2] =	sst s0;
	s0 =	simm.s32 @!p1 $0x0  }
0x14: {  	s2 =	sld [smem:$0x3F96];
	s0 =	simm.s32 @p1 $0x1  }
0x15: {  	[smem:$0x3FB3] =	sst s0;
	s0 =	simm.s32 @!p2 $0x0  }
0x16: {  	s3 =	sld [smem:$0x3FDB];
	s0 =	simm.s32 @p2 $0x1  }
0x17: {  	s4 =	simm.s32 $0x1BF5;
	[smem:$0x3FB5] =	sst s0  }
0x18: {  	s0 =	sld [smem:$0x3F98];
	_ =	swait.ge [sflag:s4], $0x0  }
0x19: {  	s7 =	sld [smem:$0x3F99]  }
0x1a: {  	s8 =	sadd.s32 $0xFFFFE003, lr  }
0x1b: {  	s9 =	sadd.s32 $0xFFFFFEF7, lr;
	s5 =	simm.s32 $0xFFFFFFFF;
	p2 =	slt.u32 s8, $0xFFFFF086  }
0x1c: {  	p1 =	slt.u32 s9, $0xF7A;
	s5 =	simm.s32 @!p2 $0x0  }
0x1d: {  	s5 =	simm.s32 @p1 $0x1;
	p0 =	seq.s32 s7, s2  }
0x1e: {  	s7 =	smul.u32 @!p0 $0xF7A, s2;
	p2 =	seq.s32 @!p0 s5, $0x0  }
0x1f: {  	s9 =	smul.u32 $0xF7A, s1;
	s8 =	simm.s32 @!p0 $0x1BF5;
	p2 =	por !p2, p0  }
0x20: {  	[sflag:s8] =	ssyncset.s32 @!p0 $0xFFFFF086;
	s6 =	sadd.s32 @!p0 s3, s7;
	s7 =	simm.s32 @!p0 $0x108  }
0x21: {  	s3 =	sadd.s32 s3, s9;
	s6 =	sadd.s32 @!p0 $0x88, s6;
	s7 =	simm.s32 @p2 $0x1082  }
0x22: {  	[simem:s7], [sflag:s8] =	dma.local @!p0 [hbm:s6], $0xF7A  }
0x23: {  	s9 =	sor.u32 $0xD0000000, s2;
	s6 =	simm.s32 $0x108;
	_ =	swait.ge @!p0 [sflag:s8], $0x0  }
0x24: {  	s3 =	sadd.s32 $0x88, s3;
	s6 =	simm.s32 @!p1 $0x1082;
	[sflag:s4] =	ssyncset.s32 $0xFFFFF086  }
0x25: {  	[simem:s6], [sflag:s4] =	dma.local [hbm:s3], $0xF7A  }
0x26: {  	[smem:$0x3F99] =	sst s1;
	(tag) =	ssettag s2;
	_ =	strace s9  }
0x27: {  	s1 =	sld [smem:$0x3FA9]  }
0x28: {  	s2 =	sld [smem:$0x3FAA]  }
0x29: {  	s4 =	sld [smem:$0x3FAC]  }
0x2a: {  	p0 =	seq.s32 s5, $0x0;
	s5 =	sld [smem:$0x3FAD]  }
0x2b: {  	s6 =	sld [smem:$0x3FAE]  }
0x2c: {  	s7 =	sld [smem:$0x3FAF]  }
0x2d: {  	s3 =	simm.s32 $0x108;
	s8 =	sld [smem:$0x3FB0]  }
0x2e: {  	s3 =	simm.s32 @!p0 $0x1082;
	s9 =	sld [smem:$0x3FB1]  }
0x2f: {  	lr =	sadd.s32 s0, s3;
	s0 =	sld [smem:$0x3FA8]  }
0x30: {  	s3 =	sld [smem:$0x3FAB]  }
0x31: {  	[smem:$0x3FB4] =	sst s10  }
0x32: {  	s10 =	sld [smem:$0x3FB2];
	_ =	sdelay $0x3  }
0x33: {  	p0 =	seq.s32 s10, $0x1;
	s10 =	sld [smem:$0x3FB4];
	_ =	sdelay $0x3  }
0x34: {  	[smem:$0x3FB4] =	sst s10  }
0x35: {  	s10 =	sld [smem:$0x3FB3];
	_ =	sdelay $0x3  }
0x36: {  	p1 =	seq.s32 s10, $0x1;
	s10 =	sld [smem:$0x3FB4];
	_ =	sdelay $0x3  }
0x37: {  	[smem:$0x3FB4] =	sst s10  }
0x38: {  	s10 =	sld [smem:$0x3FB5]  }
0x39: {  	_ = 	snop;
	(pc) =	sbr.ind lr, $3  }
0x3a: {  	_ = 	snop  }
0x3b: {  	_ = 	snop  }
0x3c: {  	p2 =	seq.s32 s10, $0x1;
	s10 =	sld [smem:$0x3FB4]  }
0x3d: {  	_ =	shalt  }
0x3e: {  	_ =	shalt  }
0x3f: {  	_ =	shalt  }
0x40: {  	_ =	shalt  }
0x41: {  	_ =	shalt  }
0x42: {  	_ =	shalt  }
0x43: {  	_ =	shalt  }
0x44: {  	_ =	shalt  }
0x45: {  	_ =	shalt  }
0x46: {  	_ =	shalt  }
0x47: {  	_ =	shalt  }
0x48: {  	_ =	shalt  }
0x49: {  	_ =	shalt  }
0x4a: {  	_ =	shalt  }
0x4b: {  	_ =	shalt  }
0x4c: {  	_ =	shalt  }
0x4d: {  	_ =	shalt  }
0x4e: {  	_ =	shalt  }
0x4f: {  	_ =	shalt  }
0x50: {  	_ =	shalt  }
0x51: {  	_ =	shalt  }
0x52: {  	_ =	shalt  }
0x53: {  	_ =	shalt  }
0x54: {  	_ =	shalt  }
0x55: {  	_ =	shalt  }
0x56: {  	_ =	shalt  }
0x57: {  	_ =	shalt  }
0x58: {  	_ =	shalt  }
0x59: {  	_ =	shalt  }
0x5a: {  	_ =	shalt  }
0x5b: {  	_ =	shalt  }
0x5c: {  	_ =	shalt  }
0x5d: {  	_ =	shalt  }
0x5e: {  	_ =	shalt  }
0x5f: {  	_ =	shalt  }
0x60: {  	_ =	shalt  }
0x61: {  	_ =	shalt  }
0x62: {  	_ =	shalt  }
0x63: {  	_ =	shalt  }
0x64: {  	_ =	shalt  }
0x65: {  	_ =	shalt  }
0x66: {  	_ =	shalt  }
0x67: {  	_ =	shalt  }
0x68: {  	_ =	shalt  }
0x69: {  	_ =	shalt  }
0x6a: {  	_ =	shalt  }
0x6b: {  	_ =	shalt  }
0x6c: {  	_ =	shalt  }
0x6d: {  	_ =	shalt  }
0x6e: {  	_ =	shalt  }
0x6f: {  	_ =	shalt  }
0x70: {  	_ =	shalt  }
0x71: {  	_ =	shalt  }
0x72: {  	_ =	shalt  }
0x73: {  	_ =	shalt  }
0x74: {  	_ =	shalt  }
0x75: {  	_ =	shalt  }
0x76: {  	_ =	shalt  }
0x77: {  	_ =	shalt  }
0x78: {  	_ =	shalt  }
0x79: {  	_ =	shalt  }
0x7a: {  	_ =	shalt  }
0x7b: {  	_ =	shalt  }
0x7c: {  	_ =	shalt  }
0x7d: {  	_ =	shalt  }
0x7e: {  	_ =	shalt  }
0x7f: {  	_ =	shalt  }
0x80: {  	_ =	shalt  }
0x81: {  	_ =	shalt  }
0x82: {  	_ =	shalt  }
0x83: {  	_ =	shalt  }
0x84: {  	_ =	shalt  }
0x85: {  	_ =	shalt  }
0x86: {  	_ =	shalt  }
0x87: {  	_ =	shalt  }
.Lfunc_end0:
.L_simem_size_0:
called_computation.1_lowered:
.L_overlay_start_0:
0x88: {  	s2 =	sld [smem:$0x3FD9]  }
0x89: {  	s3 =	sld [smem:$0x3FFE];
	_ =	sdelay $0x1  }
0x8a: {  	s1 =	srdreg.scid  }
0x8b: {  	s0 =	sand.u32 $0x1, s1  }
0x8c: {  	s16 =	sshll.u32 s0, $0xA;
	s2 =	sadd.s32 s3, s2  }
0x8d: {  	s2 =	sadd.s32 s2, s16  }
0x8e: {  	[smem:$0x3FC0] =	sst s2  }
0x8f: {  	_ = 	snop  }
0x90: {  	(tm) =	ssettm $0x1  }
0x91: {  	s17 =	sld [smem:$0x3FFB];
	_ =	sdelay $0x3  }
0x92: {  	_ =	strace s17  }
0x93: {  	s2 =	sld [smem:$0x3FFC];
	_ =	sdelay $0x3  }
0x94: {  	_ =	strace s2  }
0x95: {  	s2 =	sld [smem:$0x3FFD];
	_ =	sdelay $0x3  }
0x96: {  	_ =	strace s2  }
0x97: {  	_ =	strace $0x8FFFFFFF  }
0x98: {  	s18 =	sld [smem:$0x3FDB];
	_ =	sdelay $0x1  }
0x99: {  	s19 =	simm.s32 $_scs_section_size  }
0x9a: {  	s4 =	simm.s32 $_size__tile_overlayer_lowered;
	s5 =	simm.s32 $_tile_overlayer_lowered  }
0x9b: {  	s22 =	simm.s32 $0x1BFF;
	s21 =	sshll.u32 s5, $0x1;
	s2 =	sadd.s32 s19, s18  }
0x9c: {  	s6 =	simm.s32 $0x0;
	s20 =	sshll.u32 s4, $0x1;
	s4 =	sadd.s32 s21, s2  }
0x9d: {  	[timem:s6], [sflag:s22] =	dma.local [hbm:s4], s20  }
0x9e: {  	_ =	swait.ge [sflag:s22], s20  }
0x9f: {  	s3 =	ssub.s32 $0x0, s20;
	[sflag:s22] =	ssyncset.done $0x0  }
0xa0: {  	[sflag:s22] =	ssyncadd.s32 s3;
	_ =	sdelay $0x1  }
0xa1: {  	s23 =	simm.s32 $0x1B8B  }
0xa2: {  	_ =	swait.ge [sflag:s23], $0x1  }
0xa3: {  	[sflag:s23] =	ssyncset.done $0x0  }
0xa4: {  	s25 =	simm.s32 $0x1B8E;
	s24 =	sld [smem:$0x3FFE];
	[sflag:s23] =	ssyncadd.s32 $0xFFFFFFFF  }
0xa5: {  	s26 =	simm.s32 $execute0_lowered;
	[smem:$0x3FD2] =	sst s25  }
0xa6: {  	s4 =	sshll.u32 s26, $0x1;
	_ =	strace $0x80000049;
	[dreg:$0x1] =	wrdreg $0xFFFFFFFF  }
0xa7: {  	s28 =	simm.s32 $_size_execute0_lowered;
	s2 =	sadd.s32 s2, s4;
	[dreg:$0x0] =	wrdreg $0x0  }
0xa8: {  	s4 =	sshll.u32 s28, $0x1;
	[dreg:$0x2] =	wrdreg s2  }
0xa9: {  	[dreg:$0x3] =	wrdreg s4  }
0xaa: {  	[dreg:$0x4] =	wrdreg $0xC0  }
0xab: {  	_ =	task [dreg:s6], $0x5FFFF  }
0xac: {  	[dreg:$0x1] =	wrdreg $0xFFFFFFFF  }
0xad: {  	[dreg:$0x0] =	wrdreg $0x60  }
0xae: {  	[dreg:$0x2] =	wrdreg s24  }
0xaf: {  	[dreg:$0x3] =	wrdreg $0xAA000  }
0xb0: {  	[dreg:$0x4] =	wrdreg $0x9  }
0xb1: {  	_ =	task.clear_ibuf [dreg:s6], $0x5FFFF;
	_ =	strace $0x90000049  }
0xb2: {  	s29 =	simm.s32 $0x9;
	_ =	strace $0x8000004B  }
0xb3: {  	_ =	swait.ge [sflag:s29], $0x1  }
0xb4: {  	[sflag:s29] =	ssyncadd.s32 $0xFFFFFFFF  }
0xb5: {  	_ =	strace $0x9000004B  }
0xb6: {  	_ =	sfence  }
0xb7: {  	s30 =	sld [smem:$0x0];
	_ =	sdelay $0x2  }
0xb8: {  	s31 =	sshll.u32 s1, $0xD;
	s1 =	sshrl.u32 s1, $0x2  }
0xb9: {  	s3 =	sand.u32 $0x4000, s31;
	s1 =	sadd.s32 s1, s30  }
0xba: {  	s0 =	sor.u32 s3, s0;
	s1 =	sshll.u32 s1, $0x11  }
0xbb: {  	s0 =	sor.u32 s1, s0  }
0xbc: {  	s0 =	sadd.s32 $0x8F2B, s0  }
0xbd: {  	[sflag:s0] =	ssyncadd.remote.s32 $0x1  }
0xbe: {  	_ =	sfence.sel $0xFFFF  }
0xbf: {  	[dreg:$0x0] =	wrdreg $0xFFFFFFFF;
	(pc) =	sbr.abs _section_cstart, $3  }
0xc0: {  	[dreg:$0x1] =	wrdreg $0xFFFFFFFF  }
0xc1: {  	_ =	task.clear_ibuf [dreg:s6], $0x2FFFF;
	_ =	strace $0x9FFFFFFF  }
0xc2: {  	(tm) =	ssettm $0x7FFFFFFF  }
0xc3: {  	_ =	shalt  }
tec
execute0_lowered:
.L_overlay_start_1:
0x0: {  	(tag) =	ssettag $0x1  }
0x1: {  	s5 =	rddreg [dreg:$0x0]  }
0x2: {  	s1 =	rddreg [dreg:$0x1];
	s2 =	simm.s32 $0x0  }
0x3: {  	s6 =	srdreg.scid;
	s3 =	stileid.u32;
	s17 =	simm.s32 $0x100  }
0x4: {  	s18 =	simm.s32 $0x180;
	s19 =	simm.s32 $0x1;
	s20 =	simm.s32 $0x200  }
0x5: {  	s21 =	simm.s32 $0x3;
	s22 =	simm.s32 $0x2;
	s23 =	simm.s32 $0x4200  }
0x6: {  	[smem:$0x7FF] =	sst s2;
	s4 =	sadd.s32 $0x1F600, s5;
	s28 =	smul.u32 $0xA000, s3  }
0x7: {  	s13 =	sadd.s32 $0x15600, s5;
	s10 =	sand.u32 $0x1, s6;
	s29 =	smul.u32 $0xA00, s3  }
0x8: {  	s11 =	sadd.s32 $0x1800, s5;
	s25 =	sshll.u32 s3, $0x1;
	s7 =	smul.u32 $0x27600, s10  }
0x9: {  	s12 =	ssub.s32 $0x8D, s3;
	_ =	strace $0x8000004A;
	s30 =	smul.u32 $0x500, s10  }
0xa: {  	s8 =	ssub.s32 $0x2, s10;
	s6 =	sor.u32 s10, s25;
	s25 =	smul.u32 $0x500, s3  }
0xb: {  	s9 =	sshrl.u32 s8, $0x1;
	s14 =	smul.u32 $0x500, s6;
	s31 =	sadd.s32 s29, s11  }
0xc: {  	s15 =	sadd.s32 s7, s5;
	s16 =	ssub.s32 s8, s9;
	s5 =	sshrl.u32 s12, $0x4  }
0xd: {  	s12 =	sshrl.u32 s28, $0x2;
	s6 =	sadd.s32 s13, s14;
	s26 =	sor.u32 $0x10, s14  }
0xe: {  	s7 =	sadd.s32 s11, s14;
	s24 =	sadd.s32 $0x46800, s15;
	s10 =	smax.u32 s16, $0x1  }
0xf: {  	s14 =	simm.s32 $0x8200;
	s15 =	simm.s32 $0x5;
	s16 =	simm.s32 $0x80  }
0x10: {  	s8 =	sadd.s32 s13, s26;
	s9 =	sadd.s32 s11, s26;
	s11 =	sadd.s32 s12, s1  }
0x11: {  	s12 =	sadd.s32 s30, s31;
	s13 =	sadd.s32 s29, s13;
	s24 =	sadd.s32 s24, s25  }
0x12: {  	v0 =	vimm.f32 $0.0e+00;
	s25 =	simm.s32 $0x4;
	s26 =	simm.s32 $0x0;
	s13 =	sadd.s32 s30, s13  }
.LBB2_1:
0x13: {  	s28 =	simm.s32 $0x70;
	s29 =	simm.s32 $0x3C0  }
.LBB2_2:
0x14: {  	p0 =	sne.s32 s29, $0x9FC0;
	[tilespmem:s28+$0x8200] =	vst v0  }
0x15: {  	[tilespmem:s28+$0x8190] =	vst v0  }
0x16: {  	[tilespmem:s28+$0x81A0] =	vst v0  }
.Ltmp0:
0x17: {  	[tilespmem:s28+$0x81B0] =	vst v0;
	(pc) =	sbr.rel @p0 .LBB2_2-.Ltmp0, $4  }
0x18: {  	[tilespmem:s28+$0x81C0] =	vst v0  }
0x19: {  	[tilespmem:s28+$0x81D0] =	vst v0  }
0x1a: {  	[tilespmem:s28+$0x81E0] =	vst v0  }
0x1b: {  	[tilespmem:s28+$0x81F0] =	vst v0;
	s28 =	sshra.s32 s29, $0x2;
	s29 =	sadd.s32 $0x200, s29  }
0x1c: {  	[tilespmem:s28+$0x8200] =	vst v0  }
0x1d: {  	[tilespmem:s28+$0x8190] =	vst v0  }
0x1e: {  	[tilespmem:s28+$0x81A0] =	vst v0  }
0x1f: {  	[tilespmem:s28+$0x81B0] =	vst v0  }
0x20: {  	[tilespmem:s28+$0x81C0] =	vst v0  }
0x21: {  	[tilespmem:s28+$0x81D0] =	vst v0;
	p0 =	sne.s32 s5, $0x1  }
.Ltmp1:
0x22: {  	[tilespmem:s28+$0x81E0] =	vst v0;
	(pc) =	sbr.rel @!p0 .LBB2_5-.Ltmp1, $4  }
0x23: {  	[tilespmem:s28+$0x81F0] =	vst v0  }
0x24: {  	[spmem:s11] =	stream.linear.scatter [tilespmem:s14], [sflag:$0x5], $0x2800, $0x38;
	[tilespmem:$0x1E500] =	vst v63  }
0x25: {  	_ =	swait.ge [sflag:s15], $0x2800  }
0x26: {  	s28 =	sadd.s32 $0xFFFFFFFF, s5;
	s29 =	smov.u32 s11;
	[sflag:s15] =	ssyncset.done $0x0  }
.LBB2_4:
0x27: {  	p1 =	sne.s32 s28, $0x1;
	[sflag:s15] =	ssyncadd.s32 $0xFFFFD800;
	s29 =	sadd.s32 $0x28000, s29  }
.Ltmp2:
0x28: {  	s28 =	sadd.s32 $0xFFFFFFFF, s28;
	(pc) =	sbr.rel @p1 .LBB2_4-.Ltmp2, $4  }
0x29: {  	_ = 	snop  }
0x2a: {  	[spmem:s29] =	stream.linear.scatter [tilespmem:s14], [sflag:$0x5], $0x2800, $0x38;
	[tilespmem:$0x1E500] =	vst v63  }
0x2b: {  	_ =	swait.ge [sflag:s15], $0x2800  }
0x2c: {  	[sflag:s15] =	ssyncset.done $0x0  }
.LBB2_5:
0x2d: {  	[sflag:s15] =	ssyncadd.s32 $0xFFFFD800  }
0x2e: {  	s28 =	simm.s32 $0x0;
	[bflag:$0x0] =	sbarrier.arrive $0xFFFF  }
0x2f: {  	[tilespmem:s28], [sflag:$0x1] =	stream.linear.gather [hbm4b:s6+s28], $0x80, $0x38;
	[tilespmem:$0x1E500] =	vst v63  }
0x30: {  	_ = 	snop  }
0x31: {  	[tilespmem:s16], [sflag:$0x1] =	stream.linear.gather [hbm4b:s7+s28], $0x80, $0x38;
	[tilespmem:$0x1E500] =	vst v63  }
0x32: {  	_ = 	snop  }
0x33: {  	[tilespmem:s17], [sflag:$0x2] =	stream.linear.gather [hbm4b:s8+s28], $0x80, $0x38;
	[tilespmem:$0x1E500] =	vst v63  }
0x34: {  	_ = 	snop  }
0x35: {  	[tilespmem:s18], [sflag:$0x2] =	stream.linear.gather [hbm4b:s9+s28], $0x80, $0x38;
	[tilespmem:$0x1E500] =	vst v63  }
0x36: {  	_ =	swait.ge [sflag:s19], $0x80  }
0x37: {  	[sflag:s19] =	ssyncset.done $0x0  }
0x38: {  	[sflag:s19] =	ssyncadd.s32 $0xFFFFFF80  }
0x39: {  	_ =	swait.ge [sflag:s19], $0x80  }
0x3a: {  	[sflag:s19] =	ssyncset.done $0x0  }
0x3b: {  	[sflag:s19] =	ssyncadd.s32 $0xFFFFFF80  }
0x3c: {  	[tilespmem:s20], [sflag:$0x3] =	stream.indirect.gather [hbm4b:s4+s16], $0x80, s28, s16, $0xb8;
	[tilespmem:$0x1E500] =	vst v63  }
0x3d: {  	_ =	swait.ge [sflag:s21], $0x4000  }
0x3e: {  	[sflag:s21] =	ssyncset.done $0x0  }
0x3f: {  	[sflag:s21] =	ssyncadd.s32 $0xFFFFC000  }
0x40: {  	_ =	swait.ge [sflag:s22], $0x80  }
0x41: {  	[sflag:s22] =	ssyncset.done $0x0  }
0x42: {  	[sflag:s22] =	ssyncadd.s32 $0xFFFFFF80  }
0x43: {  	_ =	swait.ge [sflag:s22], $0x80  }
0x44: {  	[sflag:s22] =	ssyncset.done $0x0  }
0x45: {  	[sflag:s22] =	ssyncadd.s32 $0xFFFFFF80  }
0x46: {  	[tilespmem:s23], [sflag:$0x4] =	stream.indirect.gather [hbm4b:s4+s16], $0x80, s17, s16, $0xb8;
	[tilespmem:$0x1E500] =	vst v63  }
0x47: {  	_ = 	snop  }
0x48: {  	[spmem:s1] =	stream.indirect.scatter.add.f32 [tilespmem:s20], [sflag:$0x5], $0x80, s16, s16, $0xb8;
	[tilespmem:$0x1E500] =	vst v63  }
0x49: {  	_ =	swait.ge [sflag:s15], $0x4000  }
0x4a: {  	s28 =	sadd.s32 $0x0, s13;
	[sflag:s15] =	ssyncset.done $0x0  }
0x4b: {  	s30 =	sadd.s32 $0x0, s12;
	s29 =	sadd.s32 $0x20, s28;
	[sflag:s15] =	ssyncadd.s32 $0xFFFFC000  }
0x4c: {  	[tilespmem:s2], [sflag:$0x1] =	stream.linear.gather [hbm4b:s29+s2], $0x80, $0x38;
	[tilespmem:$0x1E500] =	vst v63  }
0x4d: {  	s29 =	sadd.s32 $0x20, s30  }
0x4e: {  	[tilespmem:s16], [sflag:$0x1] =	stream.linear.gather [hbm4b:s29+s2], $0x80, $0x38;
	[tilespmem:$0x1E500] =	vst v63  }
0x4f: {  	_ =	swait.ge [sflag:s25], $0x4000  }
0x50: {  	[sflag:s25] =	ssyncset.done $0x0  }
0x51: {  	[sflag:s25] =	ssyncadd.s32 $0xFFFFC000  }
0x52: {  	_ =	swait.ge [sflag:s19], $0x80  }
0x53: {  	[sflag:s19] =	ssyncset.done $0x0  }
0x54: {  	[sflag:s19] =	ssyncadd.s32 $0xFFFFFF80  }
0x55: {  	_ =	swait.ge [sflag:s19], $0x80  }
0x56: {  	[sflag:s19] =	ssyncset.done $0x0  }
0x57: {  	[sflag:s19] =	ssyncadd.s32 $0xFFFFFF80  }
0x58: {  	[tilespmem:s20], [sflag:$0x3] =	stream.indirect.gather [hbm4b:s4+s16], $0x80, s2, s16, $0xb8;
	[tilespmem:$0x1E500] =	vst v63  }
0x59: {  	_ = 	snop  }
0x5a: {  	[spmem:s1] =	stream.indirect.scatter.add.f32 [tilespmem:s23], [sflag:$0x5], $0x80, s18, s16, $0xb8;
	[tilespmem:$0x1E500] =	vst v63  }
0x5b: {  	_ =	swait.ge [sflag:s15], $0x4000  }
0x5c: {  	[sflag:s15] =	ssyncset.done $0x0  }
0x5d: {  	s28 =	sadd.s32 $0x30, s28;
	[sflag:s15] =	ssyncadd.s32 $0xFFFFC000  }
0x5e: {  	[tilespmem:s17], [sflag:$0x2] =	stream.linear.gather [hbm4b:s28+s2], $0x80, $0x38;
	[tilespmem:$0x1E500] =	vst v63  }
0x5f: {  	s29 =	sadd.s32 $0x30, s30;
	s28 =	simm.s32 $0x20  }
.LBB2_6:
0x60: {  	[tilespmem:s18], [sflag:$0x2] =	stream.linear.gather [hbm4b:s29+s2], $0x80, $0x38;
	[tilespmem:$0x1E500] =	vst v63  }
0x61: {  	s29 =	smov.u32 s28  }
0x62: {  	p1 =	sne.s32 s28, $0x4C0;
	s28 =	sadd.s32 $0x20, s28;
	_ =	swait.ge [sflag:s21], $0x4000  }
0x63: {  	[sflag:s21] =	ssyncset.done $0x0  }
0x64: {  	[sflag:s21] =	ssyncadd.s32 $0xFFFFC000  }
0x65: {  	_ =	swait.ge [sflag:s22], $0x80  }
0x66: {  	[sflag:s22] =	ssyncset.done $0x0  }
0x67: {  	[sflag:s22] =	ssyncadd.s32 $0xFFFFFF80  }
0x68: {  	_ =	swait.ge [sflag:s22], $0x80  }
0x69: {  	[sflag:s22] =	ssyncset.done $0x0  }
0x6a: {  	[sflag:s22] =	ssyncadd.s32 $0xFFFFFF80  }
0x6b: {  	[tilespmem:s23], [sflag:$0x4] =	stream.indirect.gather [hbm4b:s4+s16], $0x80, s17, s16, $0xb8;
	[tilespmem:$0x1E500] =	vst v63  }
0x6c: {  	_ = 	snop  }
0x6d: {  	[spmem:s1] =	stream.indirect.scatter.add.f32 [tilespmem:s20], [sflag:$0x5], $0x80, s16, s16, $0xb8;
	[tilespmem:$0x1E500] =	vst v63  }
0x6e: {  	_ =	swait.ge [sflag:s15], $0x4000  }
0x6f: {  	s30 =	sadd.s32 s29, s13;
	[sflag:s15] =	ssyncset.done $0x0  }
0x70: {  	s29 =	sadd.s32 s29, s12;
	s31 =	sadd.s32 $0x20, s30;
	[sflag:s15] =	ssyncadd.s32 $0xFFFFC000  }
0x71: {  	[tilespmem:s2], [sflag:$0x1] =	stream.linear.gather [hbm4b:s31+s2], $0x80, $0x38;
	[tilespmem:$0x1E500] =	vst v63  }
0x72: {  	s31 =	sadd.s32 $0x20, s29  }
0x73: {  	[tilespmem:s16], [sflag:$0x1] =	stream.linear.gather [hbm4b:s31+s2], $0x80, $0x38;
	[tilespmem:$0x1E500] =	vst v63  }
0x74: {  	_ =	swait.ge [sflag:s25], $0x4000  }
0x75: {  	[sflag:s25] =	ssyncset.done $0x0  }
0x76: {  	[sflag:s25] =	ssyncadd.s32 $0xFFFFC000  }
0x77: {  	_ =	swait.ge [sflag:s19], $0x80  }
0x78: {  	[sflag:s19] =	ssyncset.done $0x0  }
0x79: {  	[sflag:s19] =	ssyncadd.s32 $0xFFFFFF80  }
0x7a: {  	_ =	swait.ge [sflag:s19], $0x80  }
0x7b: {  	[sflag:s19] =	ssyncset.done $0x0  }
0x7c: {  	[sflag:s19] =	ssyncadd.s32 $0xFFFFFF80  }
0x7d: {  	[tilespmem:s20], [sflag:$0x3] =	stream.indirect.gather [hbm4b:s4+s16], $0x80, s2, s16, $0xb8;
	[tilespmem:$0x1E500] =	vst v63  }
0x7e: {  	_ = 	snop  }
0x7f: {  	[spmem:s1] =	stream.indirect.scatter.add.f32 [tilespmem:s23], [sflag:$0x5], $0x80, s18, s16, $0xb8;
	[tilespmem:$0x1E500] =	vst v63  }
.Ltmp3:
0x80: {  	_ =	swait.ge [sflag:s15], $0x4000;
	(pc) =	sbr.rel @p1 .LBB2_6-.Ltmp3, $4  }
0x81: {  	[sflag:s15] =	ssyncset.done $0x0  }
0x82: {  	s30 =	sadd.s32 $0x30, s30;
	[sflag:s15] =	ssyncadd.s32 $0xFFFFC000  }
0x83: {  	[tilespmem:s17], [sflag:$0x2] =	stream.linear.gather [hbm4b:s30+s2], $0x80, $0x38;
	[tilespmem:$0x1E500] =	vst v63  }
0x84: {  	s29 =	sadd.s32 $0x30, s29  }
0x85: {  	[tilespmem:s18], [sflag:$0x2] =	stream.linear.gather [hbm4b:s29+s2], $0x80, $0x38;
	[tilespmem:$0x1E500] =	vst v63  }
0x86: {  	_ =	swait.ge [sflag:s21], $0x4000  }
0x87: {  	[sflag:s21] =	ssyncset.done $0x0  }
0x88: {  	[sflag:s21] =	ssyncadd.s32 $0xFFFFC000  }
0x89: {  	_ =	swait.ge [sflag:s22], $0x80  }
0x8a: {  	[sflag:s22] =	ssyncset.done $0x0  }
0x8b: {  	[sflag:s22] =	ssyncadd.s32 $0xFFFFFF80  }
0x8c: {  	_ =	swait.ge [sflag:s22], $0x80  }
0x8d: {  	[sflag:s22] =	ssyncset.done $0x0  }
0x8e: {  	[sflag:s22] =	ssyncadd.s32 $0xFFFFFF80  }
0x8f: {  	[tilespmem:s23], [sflag:$0x4] =	stream.indirect.gather [hbm4b:s4+s16], $0x80, s17, s16, $0xb8;
	[tilespmem:$0x1E500] =	vst v63  }
0x90: {  	_ = 	snop  }
0x91: {  	[spmem:s1] =	stream.indirect.scatter.add.f32 [tilespmem:s20], [sflag:$0x5], $0x80, s16, s16, $0xb8;
	[tilespmem:$0x1E500] =	vst v63  }
0x92: {  	_ =	swait.ge [sflag:s15], $0x4000  }
0x93: {  	[sflag:s15] =	ssyncset.done $0x0  }
0x94: {  	[sflag:s15] =	ssyncadd.s32 $0xFFFFC000  }
0x95: {  	_ =	swait.ge [sflag:s25], $0x4000  }
0x96: {  	[sflag:s25] =	ssyncset.done $0x0  }
0x97: {  	[sflag:s25] =	ssyncadd.s32 $0xFFFFC000  }
0x98: {  	[spmem:s1] =	stream.indirect.scatter.add.f32 [tilespmem:s23], [sflag:$0x5], $0x80, s18, s16, $0xb8;
	[tilespmem:$0x1E500] =	vst v63  }
0x99: {  	_ =	swait.ge [sflag:s15], $0x4000  }
.Ltmp4:
0x9a: {  	[sflag:s15] =	ssyncset.done $0x0;
	(pc) =	sbr.rel @!p0 .LBB2_9-.Ltmp4, $4  }
0x9b: {  	s28 =	sshll.u32 s3, $0x6;
	s29 =	sshrl.u32 s11, $0x3;
	[sflag:s15] =	ssyncadd.s32 $0xFFFFC000  }
0x9c: {  	s30 =	sadd.s32 $0x28000, s11;
	s28 =	sor.u32 $0x1C05, s28;
	[bflag:$0x0] =	sbarrier.arrive $0xFFFF  }
0x9d: {  	[hbm:s24], [sflag:s28] =	dma.local [spmem:s29], $0x500  }
0x9e: {  	s31 =	smov.u32 s24;
	s29 =	sadd.s32 $0xFFFFFFFF, s5;
	_ =	swait.ge [sflag:s15], $0x500  }
.LBB2_8:
0x9f: {  	[sflag:s15] =	ssyncset.done $0x0;
	s31 =	sadd.s32 $0x5000, s31;
	p0 =	sne.s32 s29, $0x1  }
.Ltmp5:
0xa0: {  	s0 =	sshrl.u32 s30, $0x3;
	[sflag:s15] =	ssyncadd.s32 $0xFFFFFB00;
	(pc) =	sbr.rel @p0 .LBB2_8-.Ltmp5, $3  }
0xa1: {  	[hbm:s31], [sflag:s28] =	dma.local [spmem:s0], $0x500  }
0xa2: {  	s29 =	sadd.s32 $0xFFFFFFFF, s29;
	_ =	sdelay $0x1  }
0xa3: {  	s30 =	sadd.s32 $0x28000, s30;
	_ =	swait.ge [sflag:s15], $0x500  }
.LBB2_9:
0xa4: {  	s26 =	sadd.s32 $0x1, s26  }
0xa5: {  	p0 =	sne.s32 s26, s10  }
.Ltmp6:
0xa6: {  	_ = 	snop;
	(pc) =	sbr.rel @p0 .LBB2_1-.Ltmp6, $3  }
0xa7: {  	_ =	sdelay $0x1  }
0xa8: {  	[sflag:s15] =	ssyncset.done $0x0  }
0xa9: {  	[sflag:s15] =	ssyncadd.s32 $0xFFFFFB00  }
0xaa: {  	_ =	sfence.sel $0x180000  }
0xab: {  	[bflag:$0x0] =	sbarrier.arrive $0xFFFF  }
0xac: {  	_ =	strace $0x9000004A  }
0xad: {  	[bflag:$0x2] =	sbarrier.arrive $0xFFFF  }
0xae: {  	p0 =	sne.s32 s3, $0x0;
	s0 =	rddreg [dreg:$0x2]  }
0xaf: {  	s0 =	sadd.s32 @!p0 $0x100000, s0  }
0xb0: {  	[sflag:s0] =	ssyncadd.tile.s32 @!p0 $0x1;
	_ =	shalt  }
.Lfunc_end2:
_tile_overlayer_lowered:
.L_overlay_start_2:
0xb1: {  	(tag) =	ssettag $0x2  }
0xb2: {  	s0 =	rddreg [dreg:$0x0];
	s2 =	stileid.u32  }
0xb3: {  	s1 =	rddreg [dreg:$0x1];
	p0 =	sne.s32 s2, $0x0  }
0xb4: {  	s3 =	rddreg [dreg:$0x2];
	[bflag:$0x3] =	sbarrier.arrive $0xFFFF;
	s2 =	simm.s32 @!p0 $0x1C05  }
0xb5: {  	[timem:s3], [sflag:s2] =	dma.local @!p0 [hbm:s0], s1  }
0xb6: {  	s0 =	simm.s32 @!p0 $0x5  }
0xb7: {  	_ =	swait.ge @!p0 [sflag:s0], s1  }
0xb8: {  	s1 =	ssub.s32 @!p0 $0x0, s1;
	[sflag:s0] =	ssyncset.done @!p0 $0x0  }
0xb9: {  	[sflag:s0] =	ssyncadd.s32 @!p0 s1  }
0xba: {  	[bflag:$0x3] =	sbarrier.arrive $0xFFFF  }
0xbb: {  	_ =	shalt  }

// kernel: kernel.15.cloned.1.call-start
scs
__scs_entry_jumppad:
0x0: {  	(pc) =	sbr.rel $0x88, $3  }
0x1: {  	(tag) =	ssettag $0x0;
	lr =	simm.s32 $0x1  }
0x2: {  	[smem:$0x3F99] =	sst lr;
	_ =	strace $0xD0000000  }
0x3: {  	_ = 	snop  }
0x4: {  	_ = 	snop  }
0x5: {  	_ = 	snop  }
0x6: {  	_ = 	snop  }
0x7: {  	_ = 	snop  }
__scs_overlays_trampoline_lowered:
0x8: {  	[smem:$0x3FA8] =	sst s0  }
0x9: {  	[smem:$0x3FA9] =	sst s1  }
0xa: {  	[smem:$0x3FAA] =	sst s2  }
0xb: {  	[smem:$0x3FAB] =	sst s3  }
0xc: {  	[smem:$0x3FAC] =	sst s4  }
0xd: {  	[smem:$0x3FAD] =	sst s5  }
0xe: {  	[smem:$0x3FAE] =	sst s6  }
0xf: {  	[smem:$0x3FAF] =	sst s7  }
0x10: {  	[smem:$0x3FB0] =	sst s8  }
0x11: {  	[smem:$0x3FB1] =	sst s9;
	s0 =	simm.s32 @!p0 $0x0  }
0x12: {  	s1 =	sld [smem:$0x3F97];
	s0 =	simm.s32 @p0 $0x1  }
0x13: {  	[smem:$0x3FB2] =	sst s0;
	s0 =	simm.s32 @!p1 $0x0  }
0x14: {  	s2 =	sld [smem:$0x3F96];
	s0 =	simm.s32 @p1 $0x1  }
0x15: {  	[smem:$0x3FB3] =	sst s0;
	s0 =	simm.s32 @!p2 $0x0  }
0x16: {  	s3 =	sld [smem:$0x3FDB];
	s0 =	simm.s32 @p2 $0x1  }
0x17: {  	s4 =	simm.s32 $0x1BF5;
	[smem:$0x3FB5] =	sst s0  }
0x18: {  	s0 =	sld [smem:$0x3F98];
	_ =	swait.ge [sflag:s4], $0x0  }
0x19: {  	s7 =	sld [smem:$0x3F99]  }
0x1a: {  	s8 =	sadd.s32 $0xFFFFE003, lr  }
0x1b: {  	s9 =	sadd.s32 $0xFFFFFEF7, lr;
	s5 =	simm.s32 $0xFFFFFFFF;
	p2 =	slt.u32 s8, $0xFFFFF086  }
0x1c: {  	p1 =	slt.u32 s9, $0xF7A;
	s5 =	simm.s32 @!p2 $0x0  }
0x1d: {  	s5 =	simm.s32 @p1 $0x1;
	p0 =	seq.s32 s7, s2  }
0x1e: {  	s7 =	smul.u32 @!p0 $0xF7A, s2;
	p2 =	seq.s32 @!p0 s5, $0x0  }
0x1f: {  	s9 =	smul.u32 $0xF7A, s1;
	s8 =	simm.s32 @!p0 $0x1BF5;
	p2 =	por !p2, p0  }
0x20: {  	[sflag:s8] =	ssyncset.s32 @!p0 $0xFFFFF086;
	s6 =	sadd.s32 @!p0 s3, s7;
	s7 =	simm.s32 @!p0 $0x108  }
0x21: {  	s3 =	sadd.s32 s3, s9;
	s6 =	sadd.s32 @!p0 $0x88, s6;
	s7 =	simm.s32 @p2 $0x1082  }
0x22: {  	[simem:s7], [sflag:s8] =	dma.local @!p0 [hbm:s6], $0xF7A  }
0x23: {  	s9 =	sor.u32 $0xD0000000, s2;
	s6 =	simm.s32 $0x108;
	_ =	swait.ge @!p0 [sflag:s8], $0x0  }
0x24: {  	s3 =	sadd.s32 $0x88, s3;
	s6 =	simm.s32 @!p1 $0x1082;
	[sflag:s4] =	ssyncset.s32 $0xFFFFF086  }
0x25: {  	[simem:s6], [sflag:s4] =	dma.local [hbm:s3], $0xF7A  }
0x26: {  	[smem:$0x3F99] =	sst s1;
	(tag) =	ssettag s2;
	_ =	strace s9  }
0x27: {  	s1 =	sld [smem:$0x3FA9]  }
0x28: {  	s2 =	sld [smem:$0x3FAA]  }
0x29: {  	s4 =	sld [smem:$0x3FAC]  }
0x2a: {  	p0 =	seq.s32 s5, $0x0;
	s5 =	sld [smem:$0x3FAD]  }
0x2b: {  	s6 =	sld [smem:$0x3FAE]  }
0x2c: {  	s7 =	sld [smem:$0x3FAF]  }
0x2d: {  	s3 =	simm.s32 $0x108;
	s8 =	sld [smem:$0x3FB0]  }
0x2e: {  	s3 =	simm.s32 @!p0 $0x1082;
	s9 =	sld [smem:$0x3FB1]  }
0x2f: {  	lr =	sadd.s32 s0, s3;
	s0 =	sld [smem:$0x3FA8]  }
0x30: {  	s3 =	sld [smem:$0x3FAB]  }
0x31: {  	[smem:$0x3FB4] =	sst s10  }
0x32: {  	s10 =	sld [smem:$0x3FB2];
	_ =	sdelay $0x3  }
0x33: {  	p0 =	seq.s32 s10, $0x1;
	s10 =	sld [smem:$0x3FB4];
	_ =	sdelay $0x3  }
0x34: {  	[smem:$0x3FB4] =	sst s10  }
0x35: {  	s10 =	sld [smem:$0x3FB3];
	_ =	sdelay $0x3  }
0x36: {  	p1 =	seq.s32 s10, $0x1;
	s10 =	sld [smem:$0x3FB4];
	_ =	sdelay $0x3  }
0x37: {  	[smem:$0x3FB4] =	sst s10  }
0x38: {  	s10 =	sld [smem:$0x3FB5]  }
0x39: {  	_ = 	snop;
	(pc) =	sbr.ind lr, $3  }
0x3a: {  	_ = 	snop  }
0x3b: {  	_ = 	snop  }
0x3c: {  	p2 =	seq.s32 s10, $0x1;
	s10 =	sld [smem:$0x3FB4]  }
0x3d: {  	_ =	shalt  }
0x3e: {  	_ =	shalt  }
0x3f: {  	_ =	shalt  }
0x40: {  	_ =	shalt  }
0x41: {  	_ =	shalt  }
0x42: {  	_ =	shalt  }
0x43: {  	_ =	shalt  }
0x44: {  	_ =	shalt  }
0x45: {  	_ =	shalt  }
0x46: {  	_ =	shalt  }
0x47: {  	_ =	shalt  }
0x48: {  	_ =	shalt  }
0x49: {  	_ =	shalt  }
0x4a: {  	_ =	shalt  }
0x4b: {  	_ =	shalt  }
0x4c: {  	_ =	shalt  }
0x4d: {  	_ =	shalt  }
0x4e: {  	_ =	shalt  }
0x4f: {  	_ =	shalt  }
0x50: {  	_ =	shalt  }
0x51: {  	_ =	shalt  }
0x52: {  	_ =	shalt  }
0x53: {  	_ =	shalt  }
0x54: {  	_ =	shalt  }
0x55: {  	_ =	shalt  }
0x56: {  	_ =	shalt  }
0x57: {  	_ =	shalt  }
0x58: {  	_ =	shalt  }
0x59: {  	_ =	shalt  }
0x5a: {  	_ =	shalt  }
0x5b: {  	_ =	shalt  }
0x5c: {  	_ =	shalt  }
0x5d: {  	_ =	shalt  }
0x5e: {  	_ =	shalt  }
0x5f: {  	_ =	shalt  }
0x60: {  	_ =	shalt  }
0x61: {  	_ =	shalt  }
0x62: {  	_ =	shalt  }
0x63: {  	_ =	shalt  }
0x64: {  	_ =	shalt  }
0x65: {  	_ =	shalt  }
0x66: {  	_ =	shalt  }
0x67: {  	_ =	shalt  }
0x68: {  	_ =	shalt  }
0x69: {  	_ =	shalt  }
0x6a: {  	_ =	shalt  }
0x6b: {  	_ =	shalt  }
0x6c: {  	_ =	shalt  }
0x6d: {  	_ =	shalt  }
0x6e: {  	_ =	shalt  }
0x6f: {  	_ =	shalt  }
0x70: {  	_ =	shalt  }
0x71: {  	_ =	shalt  }
0x72: {  	_ =	shalt  }
0x73: {  	_ =	shalt  }
0x74: {  	_ =	shalt  }
0x75: {  	_ =	shalt  }
0x76: {  	_ =	shalt  }
0x77: {  	_ =	shalt  }
0x78: {  	_ =	shalt  }
0x79: {  	_ =	shalt  }
0x7a: {  	_ =	shalt  }
0x7b: {  	_ =	shalt  }
0x7c: {  	_ =	shalt  }
0x7d: {  	_ =	shalt  }
0x7e: {  	_ =	shalt  }
0x7f: {  	_ =	shalt  }
0x80: {  	_ =	shalt  }
0x81: {  	_ =	shalt  }
0x82: {  	_ =	shalt  }
0x83: {  	_ =	shalt  }
0x84: {  	_ =	shalt  }
0x85: {  	_ =	shalt  }
0x86: {  	_ =	shalt  }
0x87: {  	_ =	shalt  }
.Lfunc_end0:
.L_simem_size_0:
called_computation.2_lowered:
.L_overlay_start_0:
0x88: {  	s2 =	sld [smem:$0x3FD9]  }
0x89: {  	s3 =	sld [smem:$0x3FFE];
	_ =	sdelay $0x1  }
0x8a: {  	s1 =	srdreg.scid  }
0x8b: {  	s0 =	sand.u32 $0x1, s1  }
0x8c: {  	s16 =	sshll.u32 s0, $0xA;
	s2 =	sadd.s32 s3, s2  }
0x8d: {  	s2 =	sadd.s32 s2, s16  }
0x8e: {  	[smem:$0x3FC0] =	sst s2  }
0x8f: {  	_ = 	snop  }
0x90: {  	(tm) =	ssettm $0x1  }
0x91: {  	s17 =	sld [smem:$0x3FFB];
	_ =	sdelay $0x3  }
0x92: {  	_ =	strace s17  }
0x93: {  	s2 =	sld [smem:$0x3FFC];
	_ =	sdelay $0x3  }
0x94: {  	_ =	strace s2  }
0x95: {  	s2 =	sld [smem:$0x3FFD];
	_ =	sdelay $0x3  }
0x96: {  	_ =	strace s2  }
0x97: {  	_ =	strace $0x8FFFFFFF  }
0x98: {  	s18 =	sld [smem:$0x3FDB];
	_ =	sdelay $0x1  }
0x99: {  	s19 =	simm.s32 $_scs_section_size  }
0x9a: {  	s4 =	simm.s32 $_size__tile_overlayer_lowered;
	s5 =	simm.s32 $_tile_overlayer_lowered  }
0x9b: {  	s22 =	simm.s32 $0x1BFF;
	s21 =	sshll.u32 s5, $0x1;
	s2 =	sadd.s32 s19, s18  }
0x9c: {  	s6 =	simm.s32 $0x0;
	s20 =	sshll.u32 s4, $0x1;
	s4 =	sadd.s32 s21, s2  }
0x9d: {  	[timem:s6], [sflag:s22] =	dma.local [hbm:s4], s20  }
0x9e: {  	_ =	swait.ge [sflag:s22], s20  }
0x9f: {  	s3 =	ssub.s32 $0x0, s20;
	[sflag:s22] =	ssyncset.done $0x0  }
0xa0: {  	[sflag:s22] =	ssyncadd.s32 s3;
	_ =	sdelay $0x1  }
0xa1: {  	s23 =	simm.s32 $0x1B8B  }
0xa2: {  	_ =	swait.ge [sflag:s23], $0x1  }
0xa3: {  	[sflag:s23] =	ssyncset.done $0x0  }
0xa4: {  	s25 =	simm.s32 $0x1B8E;
	s24 =	sld [smem:$0x3FFE];
	[sflag:s23] =	ssyncadd.s32 $0xFFFFFFFF  }
0xa5: {  	s26 =	simm.s32 $execute0_lowered;
	[smem:$0x3FD2] =	sst s25  }
0xa6: {  	s4 =	sshll.u32 s26, $0x1;
	_ =	strace $0x8000004C;
	[dreg:$0x1] =	wrdreg $0xFFFFFFFF  }
0xa7: {  	s28 =	simm.s32 $_size_execute0_lowered;
	s2 =	sadd.s32 s2, s4;
	[dreg:$0x0] =	wrdreg $0x0  }
0xa8: {  	s4 =	sshll.u32 s28, $0x1;
	[dreg:$0x2] =	wrdreg s2  }
0xa9: {  	[dreg:$0x3] =	wrdreg s4  }
0xaa: {  	[dreg:$0x4] =	wrdreg $0xC0  }
0xab: {  	_ =	task [dreg:s6], $0x5FFFF  }
0xac: {  	[dreg:$0x1] =	wrdreg $0xFFFFFFFF  }
0xad: {  	[dreg:$0x0] =	wrdreg $0x60  }
0xae: {  	[dreg:$0x2] =	wrdreg s24  }
0xaf: {  	[dreg:$0x3] =	wrdreg $0x17000  }
0xb0: {  	[dreg:$0x4] =	wrdreg $0x9  }
0xb1: {  	_ =	task.clear_ibuf [dreg:s6], $0x5FFFF;
	_ =	strace $0x9000004C  }
0xb2: {  	s29 =	simm.s32 $0x9;
	_ =	strace $0x8000004E  }
0xb3: {  	_ =	swait.ge [sflag:s29], $0x1  }
0xb4: {  	[sflag:s29] =	ssyncadd.s32 $0xFFFFFFFF  }
0xb5: {  	_ =	strace $0x9000004E  }
0xb6: {  	_ =	sfence  }
0xb7: {  	s30 =	sld [smem:$0x0];
	_ =	sdelay $0x2  }
0xb8: {  	s31 =	sshll.u32 s1, $0xD;
	s1 =	sshrl.u32 s1, $0x2  }
0xb9: {  	s3 =	sand.u32 $0x4000, s31;
	s1 =	sadd.s32 s1, s30  }
0xba: {  	s0 =	sor.u32 s3, s0;
	s1 =	sshll.u32 s1, $0x11  }
0xbb: {  	s0 =	sor.u32 s1, s0  }
0xbc: {  	s0 =	sadd.s32 $0x8F2B, s0  }
0xbd: {  	[sflag:s0] =	ssyncadd.remote.s32 $0x1  }
0xbe: {  	_ =	sfence.sel $0xFFFF  }
0xbf: {  	[dreg:$0x0] =	wrdreg $0xFFFFFFFF;
	(pc) =	sbr.abs _section_cstart, $3  }
0xc0: {  	[dreg:$0x1] =	wrdreg $0xFFFFFFFF  }
0xc1: {  	_ =	task.clear_ibuf [dreg:s6], $0x2FFFF;
	_ =	strace $0x9FFFFFFF  }
0xc2: {  	(tm) =	ssettm $0x7FFFFFFF  }
0xc3: {  	_ =	shalt  }
tec
execute0_lowered:
.L_overlay_start_1:
0x0: {  	(tag) =	ssettag $0x1  }
0x1: {  	s5 =	rddreg [dreg:$0x0]  }
0x2: {  	s1 =	rddreg [dreg:$0x1];
	s2 =	simm.s32 $0x0  }
0x3: {  	s6 =	srdreg.scid;
	s3 =	stileid.u32;
	s17 =	simm.s32 $0x100  }
0x4: {  	s18 =	simm.s32 $0x180;
	s19 =	simm.s32 $0x1;
	s20 =	simm.s32 $0x200  }
0x5: {  	s21 =	simm.s32 $0x3;
	s22 =	simm.s32 $0x2;
	s23 =	simm.s32 $0xA00  }
0x6: {  	[smem:$0x7FF] =	sst s2;
	s4 =	sadd.s32 $0xB800, s5;
	s28 =	smul.u32 $0x1400, s3  }
0x7: {  	s13 =	sadd.s32 $0x15600, s5;
	s10 =	sand.u32 $0x1, s6;
	s29 =	smul.u32 $0xA00, s3  }
0x8: {  	s11 =	sadd.s32 $0x1800, s5;
	s25 =	sshll.u32 s3, $0x1;
	s7 =	smul.u32 $0x4EC0, s10  }
0x9: {  	s12 =	ssub.s32 $0x8D, s3;
	_ =	strace $0x8000004D;
	s30 =	smul.u32 $0x500, s10  }
0xa: {  	s8 =	ssub.s32 $0x2, s10;
	s6 =	sor.u32 s10, s25;
	s25 =	smul.u32 $0xA0, s3  }
0xb: {  	s9 =	sshrl.u32 s8, $0x1;
	s14 =	smul.u32 $0x500, s6;
	s31 =	sadd.s32 s29, s11  }
0xc: {  	s15 =	sadd.s32 s7, s5;
	s16 =	ssub.s32 s8, s9;
	s5 =	sshrl.u32 s12, $0x4  }
0xd: {  	s12 =	sshrl.u32 s28, $0x2;
	s6 =	sadd.s32 s13, s14;
	s26 =	sor.u32 $0x10, s14  }
0xe: {  	s7 =	sadd.s32 s11, s14;
	s24 =	sadd.s32 $0x1F600, s15;
	s10 =	smax.u32 s16, $0x1  }
0xf: {  	s14 =	simm.s32 $0x1200;
	s15 =	simm.s32 $0x5;
	s16 =	simm.s32 $0x80  }
0x10: {  	s8 =	sadd.s32 s13, s26;
	s9 =	sadd.s32 s11, s26;
	s11 =	sadd.s32 s12, s1  }
0x11: {  	s12 =	sadd.s32 s30, s31;
	s13 =	sadd.s32 s29, s13;
	s24 =	sadd.s32 s24, s25  }
0x12: {  	v0 =	vimm.f32 $0.0e+00;
	s25 =	simm.s32 $0x4;
	s26 =	simm.s32 $0x0;
	s13 =	sadd.s32 s30, s13  }
.LBB2_1:
0x13: {  	s28 =	simm.s32 $0x40;
	s29 =	simm.s32 $0x0  }
.LBB2_2:
0x14: {  	p0 =	sne.s32 s28, $0x13C0;
	[tilespmem:s29+$0x1200] =	vst v0;
	s29 =	smov.u32 s28;
	s28 =	sadd.s32 $0x40, s28  }
.Ltmp0:
0x15: {  	(pc) =	sbr.rel @p0 .LBB2_2-.Ltmp0, $2  }
0x16: {  	_ =	sdelay $0x2  }
0x17: {  	s29 =	sshra.s32 s29, $0x2  }
0x18: {  	p0 =	sne.s32 s5, $0x1  }
.Ltmp1:
0x19: {  	_ = 	snop;
	(pc) =	sbr.rel @!p0 .LBB2_5-.Ltmp1, $4  }
0x1a: {  	[tilespmem:s29+$0x1200] =	vst v0  }
0x1b: {  	[spmem:s11] =	stream.linear.scatter [tilespmem:s14], [sflag:$0x5], $0x500, $0x38;
	[tilespmem:$0x3E60] =	vst v63  }
0x1c: {  	_ =	swait.ge [sflag:s15], $0x500  }
0x1d: {  	s28 =	sadd.s32 $0xFFFFFFFF, s5;
	s29 =	smov.u32 s11;
	[sflag:s15] =	ssyncset.done $0x0  }
.LBB2_4:
0x1e: {  	p1 =	sne.s32 s28, $0x1;
	[sflag:s15] =	ssyncadd.s32 $0xFFFFFB00;
	s29 =	sadd.s32 $0x5000, s29  }
.Ltmp2:
0x1f: {  	s28 =	sadd.s32 $0xFFFFFFFF, s28;
	(pc) =	sbr.rel @p1 .LBB2_4-.Ltmp2, $4  }
0x20: {  	_ = 	snop  }
0x21: {  	[spmem:s29] =	stream.linear.scatter [tilespmem:s14], [sflag:$0x5], $0x500, $0x38;
	[tilespmem:$0x3E60] =	vst v63  }
0x22: {  	_ =	swait.ge [sflag:s15], $0x500  }
0x23: {  	[sflag:s15] =	ssyncset.done $0x0  }
.LBB2_5:
0x24: {  	[sflag:s15] =	ssyncadd.s32 $0xFFFFFB00  }
0x25: {  	s28 =	simm.s32 $0x0;
	[bflag:$0x0] =	sbarrier.arrive $0xFFFF  }
0x26: {  	[tilespmem:s28], [sflag:$0x1] =	stream.linear.gather [hbm4b:s6+s28], $0x80, $0x38;
	[tilespmem:$0x3E60] =	vst v63  }
0x27: {  	_ = 	snop  }
0x28: {  	[tilespmem:s16], [sflag:$0x1] =	stream.linear.gather [hbm4b:s7+s28], $0x80, $0x38;
	[tilespmem:$0x3E60] =	vst v63  }
0x29: {  	_ = 	snop  }
0x2a: {  	[tilespmem:s17], [sflag:$0x2] =	stream.linear.gather [hbm4b:s8+s28], $0x80, $0x38;
	[tilespmem:$0x3E60] =	vst v63  }
0x2b: {  	_ = 	snop  }
0x2c: {  	[tilespmem:s18], [sflag:$0x2] =	stream.linear.gather [hbm4b:s9+s28], $0x80, $0x38;
	[tilespmem:$0x3E60] =	vst v63  }
0x2d: {  	_ =	swait.ge [sflag:s19], $0x80  }
0x2e: {  	[sflag:s19] =	ssyncset.done $0x0  }
0x2f: {  	[sflag:s19] =	ssyncadd.s32 $0xFFFFFF80  }
0x30: {  	_ =	swait.ge [sflag:s19], $0x80  }
0x31: {  	[sflag:s19] =	ssyncset.done $0x0  }
0x32: {  	[sflag:s19] =	ssyncadd.s32 $0xFFFFFF80  }
0x33: {  	[tilespmem:s20], [sflag:$0x3] =	stream.indirect.gather [hbm4b:s4+s16], $0x10, s28, s16, $0xb8;
	[tilespmem:$0x3E60] =	vst v63  }
0x34: {  	_ =	swait.ge [sflag:s21], $0x800  }
0x35: {  	[sflag:s21] =	ssyncset.done $0x0  }
0x36: {  	[sflag:s21] =	ssyncadd.s32 $0xFFFFF800  }
0x37: {  	_ =	swait.ge [sflag:s22], $0x80  }
0x38: {  	[sflag:s22] =	ssyncset.done $0x0  }
0x39: {  	[sflag:s22] =	ssyncadd.s32 $0xFFFFFF80  }
0x3a: {  	_ =	swait.ge [sflag:s22], $0x80  }
0x3b: {  	[sflag:s22] =	ssyncset.done $0x0  }
0x3c: {  	[sflag:s22] =	ssyncadd.s32 $0xFFFFFF80  }
0x3d: {  	[tilespmem:s23], [sflag:$0x4] =	stream.indirect.gather [hbm4b:s4+s16], $0x10, s17, s16, $0xb8;
	[tilespmem:$0x3E60] =	vst v63  }
0x3e: {  	_ = 	snop  }
0x3f: {  	[spmem:s1] =	stream.indirect.scatter.add.f32 [tilespmem:s20], [sflag:$0x5], $0x10, s16, s16, $0xb8;
	[tilespmem:$0x3E60] =	vst v63  }
0x40: {  	_ =	swait.ge [sflag:s15], $0x800  }
0x41: {  	s28 =	sadd.s32 $0x0, s13;
	[sflag:s15] =	ssyncset.done $0x0  }
0x42: {  	s30 =	sadd.s32 $0x0, s12;
	s29 =	sadd.s32 $0x20, s28;
	[sflag:s15] =	ssyncadd.s32 $0xFFFFF800  }
0x43: {  	[tilespmem:s2], [sflag:$0x1] =	stream.linear.gather [hbm4b:s29+s2], $0x80, $0x38;
	[tilespmem:$0x3E60] =	vst v63  }
0x44: {  	s29 =	sadd.s32 $0x20, s30  }
0x45: {  	[tilespmem:s16], [sflag:$0x1] =	stream.linear.gather [hbm4b:s29+s2], $0x80, $0x38;
	[tilespmem:$0x3E60] =	vst v63  }
0x46: {  	_ =	swait.ge [sflag:s25], $0x800  }
0x47: {  	[sflag:s25] =	ssyncset.done $0x0  }
0x48: {  	[sflag:s25] =	ssyncadd.s32 $0xFFFFF800  }
0x49: {  	_ =	swait.ge [sflag:s19], $0x80  }
0x4a: {  	[sflag:s19] =	ssyncset.done $0x0  }
0x4b: {  	[sflag:s19] =	ssyncadd.s32 $0xFFFFFF80  }
0x4c: {  	_ =	swait.ge [sflag:s19], $0x80  }
0x4d: {  	[sflag:s19] =	ssyncset.done $0x0  }
0x4e: {  	[sflag:s19] =	ssyncadd.s32 $0xFFFFFF80  }
0x4f: {  	[tilespmem:s20], [sflag:$0x3] =	stream.indirect.gather [hbm4b:s4+s16], $0x10, s2, s16, $0xb8;
	[tilespmem:$0x3E60] =	vst v63  }
0x50: {  	_ = 	snop  }
0x51: {  	[spmem:s1] =	stream.indirect.scatter.add.f32 [tilespmem:s23], [sflag:$0x5], $0x10, s18, s16, $0xb8;
	[tilespmem:$0x3E60] =	vst v63  }
0x52: {  	_ =	swait.ge [sflag:s15], $0x800  }
0x53: {  	[sflag:s15] =	ssyncset.done $0x0  }
0x54: {  	s28 =	sadd.s32 $0x30, s28;
	[sflag:s15] =	ssyncadd.s32 $0xFFFFF800  }
0x55: {  	[tilespmem:s17], [sflag:$0x2] =	stream.linear.gather [hbm4b:s28+s2], $0x80, $0x38;
	[tilespmem:$0x3E60] =	vst v63  }
0x56: {  	s29 =	sadd.s32 $0x30, s30;
	s28 =	simm.s32 $0x20  }
.LBB2_6:
0x57: {  	[tilespmem:s18], [sflag:$0x2] =	stream.linear.gather [hbm4b:s29+s2], $0x80, $0x38;
	[tilespmem:$0x3E60] =	vst v63  }
0x58: {  	s29 =	smov.u32 s28  }
0x59: {  	p1 =	sne.s32 s28, $0x4C0;
	s28 =	sadd.s32 $0x20, s28;
	_ =	swait.ge [sflag:s21], $0x800  }
0x5a: {  	[sflag:s21] =	ssyncset.done $0x0  }
0x5b: {  	[sflag:s21] =	ssyncadd.s32 $0xFFFFF800  }
0x5c: {  	_ =	swait.ge [sflag:s22], $0x80  }
0x5d: {  	[sflag:s22] =	ssyncset.done $0x0  }
0x5e: {  	[sflag:s22] =	ssyncadd.s32 $0xFFFFFF80  }
0x5f: {  	_ =	swait.ge [sflag:s22], $0x80  }
0x60: {  	[sflag:s22] =	ssyncset.done $0x0  }
0x61: {  	[sflag:s22] =	ssyncadd.s32 $0xFFFFFF80  }
0x62: {  	[tilespmem:s23], [sflag:$0x4] =	stream.indirect.gather [hbm4b:s4+s16], $0x10, s17, s16, $0xb8;
	[tilespmem:$0x3E60] =	vst v63  }
0x63: {  	_ = 	snop  }
0x64: {  	[spmem:s1] =	stream.indirect.scatter.add.f32 [tilespmem:s20], [sflag:$0x5], $0x10, s16, s16, $0xb8;
	[tilespmem:$0x3E60] =	vst v63  }
0x65: {  	_ =	swait.ge [sflag:s15], $0x800  }
0x66: {  	s30 =	sadd.s32 s29, s13;
	[sflag:s15] =	ssyncset.done $0x0  }
0x67: {  	s29 =	sadd.s32 s29, s12;
	s31 =	sadd.s32 $0x20, s30;
	[sflag:s15] =	ssyncadd.s32 $0xFFFFF800  }
0x68: {  	[tilespmem:s2], [sflag:$0x1] =	stream.linear.gather [hbm4b:s31+s2], $0x80, $0x38;
	[tilespmem:$0x3E60] =	vst v63  }
0x69: {  	s31 =	sadd.s32 $0x20, s29  }
0x6a: {  	[tilespmem:s16], [sflag:$0x1] =	stream.linear.gather [hbm4b:s31+s2], $0x80, $0x38;
	[tilespmem:$0x3E60] =	vst v63  }
0x6b: {  	_ =	swait.ge [sflag:s25], $0x800  }
0x6c: {  	[sflag:s25] =	ssyncset.done $0x0  }
0x6d: {  	[sflag:s25] =	ssyncadd.s32 $0xFFFFF800  }
0x6e: {  	_ =	swait.ge [sflag:s19], $0x80  }
0x6f: {  	[sflag:s19] =	ssyncset.done $0x0  }
0x70: {  	[sflag:s19] =	ssyncadd.s32 $0xFFFFFF80  }
0x71: {  	_ =	swait.ge [sflag:s19], $0x80  }
0x72: {  	[sflag:s19] =	ssyncset.done $0x0  }
0x73: {  	[sflag:s19] =	ssyncadd.s32 $0xFFFFFF80  }
0x74: {  	[tilespmem:s20], [sflag:$0x3] =	stream.indirect.gather [hbm4b:s4+s16], $0x10, s2, s16, $0xb8;
	[tilespmem:$0x3E60] =	vst v63  }
0x75: {  	_ = 	snop  }
0x76: {  	[spmem:s1] =	stream.indirect.scatter.add.f32 [tilespmem:s23], [sflag:$0x5], $0x10, s18, s16, $0xb8;
	[tilespmem:$0x3E60] =	vst v63  }
.Ltmp3:
0x77: {  	_ =	swait.ge [sflag:s15], $0x800;
	(pc) =	sbr.rel @p1 .LBB2_6-.Ltmp3, $4  }
0x78: {  	[sflag:s15] =	ssyncset.done $0x0  }
0x79: {  	s30 =	sadd.s32 $0x30, s30;
	[sflag:s15] =	ssyncadd.s32 $0xFFFFF800  }
0x7a: {  	[tilespmem:s17], [sflag:$0x2] =	stream.linear.gather [hbm4b:s30+s2], $0x80, $0x38;
	[tilespmem:$0x3E60] =	vst v63  }
0x7b: {  	s29 =	sadd.s32 $0x30, s29  }
0x7c: {  	[tilespmem:s18], [sflag:$0x2] =	stream.linear.gather [hbm4b:s29+s2], $0x80, $0x38;
	[tilespmem:$0x3E60] =	vst v63  }
0x7d: {  	_ =	swait.ge [sflag:s21], $0x800  }
0x7e: {  	[sflag:s21] =	ssyncset.done $0x0  }
0x7f: {  	[sflag:s21] =	ssyncadd.s32 $0xFFFFF800  }
0x80: {  	_ =	swait.ge [sflag:s22], $0x80  }
0x81: {  	[sflag:s22] =	ssyncset.done $0x0  }
0x82: {  	[sflag:s22] =	ssyncadd.s32 $0xFFFFFF80  }
0x83: {  	_ =	swait.ge [sflag:s22], $0x80  }
0x84: {  	[sflag:s22] =	ssyncset.done $0x0  }
0x85: {  	[sflag:s22] =	ssyncadd.s32 $0xFFFFFF80  }
0x86: {  	[tilespmem:s23], [sflag:$0x4] =	stream.indirect.gather [hbm4b:s4+s16], $0x10, s17, s16, $0xb8;
	[tilespmem:$0x3E60] =	vst v63  }
0x87: {  	_ = 	snop  }
0x88: {  	[spmem:s1] =	stream.indirect.scatter.add.f32 [tilespmem:s20], [sflag:$0x5], $0x10, s16, s16, $0xb8;
	[tilespmem:$0x3E60] =	vst v63  }
0x89: {  	_ =	swait.ge [sflag:s15], $0x800  }
0x8a: {  	[sflag:s15] =	ssyncset.done $0x0  }
0x8b: {  	[sflag:s15] =	ssyncadd.s32 $0xFFFFF800  }
0x8c: {  	_ =	swait.ge [sflag:s25], $0x800  }
0x8d: {  	[sflag:s25] =	ssyncset.done $0x0  }
0x8e: {  	[sflag:s25] =	ssyncadd.s32 $0xFFFFF800  }
0x8f: {  	[spmem:s1] =	stream.indirect.scatter.add.f32 [tilespmem:s23], [sflag:$0x5], $0x10, s18, s16, $0xb8;
	[tilespmem:$0x3E60] =	vst v63  }
0x90: {  	_ =	swait.ge [sflag:s15], $0x800  }
.Ltmp4:
0x91: {  	[sflag:s15] =	ssyncset.done $0x0;
	(pc) =	sbr.rel @!p0 .LBB2_9-.Ltmp4, $4  }
0x92: {  	s28 =	sshll.u32 s3, $0x6;
	s29 =	sshrl.u32 s11, $0x3;
	[sflag:s15] =	ssyncadd.s32 $0xFFFFF800  }
0x93: {  	s30 =	sadd.s32 $0x5000, s11;
	s28 =	sor.u32 $0x1C05, s28;
	[bflag:$0x0] =	sbarrier.arrive $0xFFFF  }
0x94: {  	[hbm:s24], [sflag:s28] =	dma.local [spmem:s29], $0xA0  }
0x95: {  	s31 =	smov.u32 s24;
	s29 =	sadd.s32 $0xFFFFFFFF, s5;
	_ =	swait.ge [sflag:s15], $0xA0  }
.LBB2_8:
0x96: {  	[sflag:s15] =	ssyncset.done $0x0;
	s31 =	sadd.s32 $0xA00, s31;
	p0 =	sne.s32 s29, $0x1  }
.Ltmp5:
0x97: {  	s0 =	sshrl.u32 s30, $0x3;
	[sflag:s15] =	ssyncadd.s32 $0xFFFFFF60;
	(pc) =	sbr.rel @p0 .LBB2_8-.Ltmp5, $3  }
0x98: {  	[hbm:s31], [sflag:s28] =	dma.local [spmem:s0], $0xA0  }
0x99: {  	s29 =	sadd.s32 $0xFFFFFFFF, s29;
	_ =	sdelay $0x1  }
0x9a: {  	s30 =	sadd.s32 $0x5000, s30;
	_ =	swait.ge [sflag:s15], $0xA0  }
.LBB2_9:
0x9b: {  	s26 =	sadd.s32 $0x1, s26  }
0x9c: {  	p0 =	sne.s32 s26, s10  }
.Ltmp6:
0x9d: {  	_ = 	snop;
	(pc) =	sbr.rel @p0 .LBB2_1-.Ltmp6, $3  }
0x9e: {  	_ =	sdelay $0x1  }
0x9f: {  	[sflag:s15] =	ssyncset.done $0x0  }
0xa0: {  	[sflag:s15] =	ssyncadd.s32 $0xFFFFFF60  }
0xa1: {  	_ =	sfence.sel $0x180000  }
0xa2: {  	[bflag:$0x0] =	sbarrier.arrive $0xFFFF  }
0xa3: {  	_ =	strace $0x9000004D  }
0xa4: {  	[bflag:$0x2] =	sbarrier.arrive $0xFFFF  }
0xa5: {  	p0 =	sne.s32 s3, $0x0;
	s0 =	rddreg [dreg:$0x2]  }
0xa6: {  	s0 =	sadd.s32 @!p0 $0x100000, s0  }
0xa7: {  	[sflag:s0] =	ssyncadd.tile.s32 @!p0 $0x1;
	_ =	shalt  }
.Lfunc_end2:
_tile_overlayer_lowered:
.L_overlay_start_2:
0xa8: {  	(tag) =	ssettag $0x2  }
0xa9: {  	s0 =	rddreg [dreg:$0x0];
	s2 =	stileid.u32  }
0xaa: {  	s1 =	rddreg [dreg:$0x1];
	p0 =	sne.s32 s2, $0x0  }
0xab: {  	s3 =	rddreg [dreg:$0x2];
	[bflag:$0x3] =	sbarrier.arrive $0xFFFF;
	s2 =	simm.s32 @!p0 $0x1C05  }
0xac: {  	[timem:s3], [sflag:s2] =	dma.local @!p0 [hbm:s0], s1  }
0xad: {  	s0 =	simm.s32 @!p0 $0x5  }
0xae: {  	_ =	swait.ge @!p0 [sflag:s0], s1  }
0xaf: {  	s1 =	ssub.s32 @!p0 $0x0, s1;
	[sflag:s0] =	ssyncset.done @!p0 $0x0  }
0xb0: {  	[sflag:s0] =	ssyncadd.s32 @!p0 s1  }
0xb1: {  	[bflag:$0x3] =	sbarrier.arrive $0xFFFF  }
0xb2: {  	_ =	shalt  }

// kernel: kernel.9.cloned.1.call-start
scs
__scs_entry_jumppad:
0x0: {  	(pc) =	sbr.rel $0x88, $3  }
0x1: {  	(tag) =	ssettag $0x0;
	lr =	simm.s32 $0x1  }
0x2: {  	[smem:$0x3F99] =	sst lr;
	_ =	strace $0xD0000000  }
0x3: {  	_ = 	snop  }
0x4: {  	_ = 	snop  }
0x5: {  	_ = 	snop  }
0x6: {  	_ = 	snop  }
0x7: {  	_ = 	snop  }
__scs_overlays_trampoline_lowered:
0x8: {  	[smem:$0x3FA8] =	sst s0  }
0x9: {  	[smem:$0x3FA9] =	sst s1  }
0xa: {  	[smem:$0x3FAA] =	sst s2  }
0xb: {  	[smem:$0x3FAB] =	sst s3  }
0xc: {  	[smem:$0x3FAC] =	sst s4  }
0xd: {  	[smem:$0x3FAD] =	sst s5  }
0xe: {  	[smem:$0x3FAE] =	sst s6  }
0xf: {  	[smem:$0x3FAF] =	sst s7  }
0x10: {  	[smem:$0x3FB0] =	sst s8  }
0x11: {  	[smem:$0x3FB1] =	sst s9;
	s0 =	simm.s32 @!p0 $0x0  }
0x12: {  	s1 =	sld [smem:$0x3F97];
	s0 =	simm.s32 @p0 $0x1  }
0x13: {  	[smem:$0x3FB2] =	sst s0;
	s0 =	simm.s32 @!p1 $0x0  }
0x14: {  	s2 =	sld [smem:$0x3F96];
	s0 =	simm.s32 @p1 $0x1  }
0x15: {  	[smem:$0x3FB3] =	sst s0;
	s0 =	simm.s32 @!p2 $0x0  }
0x16: {  	s3 =	sld [smem:$0x3FDB];
	s0 =	simm.s32 @p2 $0x1  }
0x17: {  	s4 =	simm.s32 $0x1BF5;
	[smem:$0x3FB5] =	sst s0  }
0x18: {  	s0 =	sld [smem:$0x3F98];
	_ =	swait.ge [sflag:s4], $0x0  }
0x19: {  	s7 =	sld [smem:$0x3F99]  }
0x1a: {  	s8 =	sadd.s32 $0xFFFFE003, lr  }
0x1b: {  	s9 =	sadd.s32 $0xFFFFFEF7, lr;
	s5 =	simm.s32 $0xFFFFFFFF;
	p2 =	slt.u32 s8, $0xFFFFF086  }
0x1c: {  	p1 =	slt.u32 s9, $0xF7A;
	s5 =	simm.s32 @!p2 $0x0  }
0x1d: {  	s5 =	simm.s32 @p1 $0x1;
	p0 =	seq.s32 s7, s2  }
0x1e: {  	s7 =	smul.u32 @!p0 $0xF7A, s2;
	p2 =	seq.s32 @!p0 s5, $0x0  }
0x1f: {  	s9 =	smul.u32 $0xF7A, s1;
	s8 =	simm.s32 @!p0 $0x1BF5;
	p2 =	por !p2, p0  }
0x20: {  	[sflag:s8] =	ssyncset.s32 @!p0 $0xFFFFF086;
	s6 =	sadd.s32 @!p0 s3, s7;
	s7 =	simm.s32 @!p0 $0x108  }
0x21: {  	s3 =	sadd.s32 s3, s9;
	s6 =	sadd.s32 @!p0 $0x88, s6;
	s7 =	simm.s32 @p2 $0x1082  }
0x22: {  	[simem:s7], [sflag:s8] =	dma.local @!p0 [hbm:s6], $0xF7A  }
0x23: {  	s9 =	sor.u32 $0xD0000000, s2;
	s6 =	simm.s32 $0x108;
	_ =	swait.ge @!p0 [sflag:s8], $0x0  }
0x24: {  	s3 =	sadd.s32 $0x88, s3;
	s6 =	simm.s32 @!p1 $0x1082;
	[sflag:s4] =	ssyncset.s32 $0xFFFFF086  }
0x25: {  	[simem:s6], [sflag:s4] =	dma.local [hbm:s3], $0xF7A  }
0x26: {  	[smem:$0x3F99] =	sst s1;
	(tag) =	ssettag s2;
	_ =	strace s9  }
0x27: {  	s1 =	sld [smem:$0x3FA9]  }
0x28: {  	s2 =	sld [smem:$0x3FAA]  }
0x29: {  	s4 =	sld [smem:$0x3FAC]  }
0x2a: {  	p0 =	seq.s32 s5, $0x0;
	s5 =	sld [smem:$0x3FAD]  }
0x2b: {  	s6 =	sld [smem:$0x3FAE]  }
0x2c: {  	s7 =	sld [smem:$0x3FAF]  }
0x2d: {  	s3 =	simm.s32 $0x108;
	s8 =	sld [smem:$0x3FB0]  }
0x2e: {  	s3 =	simm.s32 @!p0 $0x1082;
	s9 =	sld [smem:$0x3FB1]  }
0x2f: {  	lr =	sadd.s32 s0, s3;
	s0 =	sld [smem:$0x3FA8]  }
0x30: {  	s3 =	sld [smem:$0x3FAB]  }
0x31: {  	[smem:$0x3FB4] =	sst s10  }
0x32: {  	s10 =	sld [smem:$0x3FB2];
	_ =	sdelay $0x3  }
0x33: {  	p0 =	seq.s32 s10, $0x1;
	s10 =	sld [smem:$0x3FB4];
	_ =	sdelay $0x3  }
0x34: {  	[smem:$0x3FB4] =	sst s10  }
0x35: {  	s10 =	sld [smem:$0x3FB3];
	_ =	sdelay $0x3  }
0x36: {  	p1 =	seq.s32 s10, $0x1;
	s10 =	sld [smem:$0x3FB4];
	_ =	sdelay $0x3  }
0x37: {  	[smem:$0x3FB4] =	sst s10  }
0x38: {  	s10 =	sld [smem:$0x3FB5]  }
0x39: {  	_ = 	snop;
	(pc) =	sbr.ind lr, $3  }
0x3a: {  	_ = 	snop  }
0x3b: {  	_ = 	snop  }
0x3c: {  	p2 =	seq.s32 s10, $0x1;
	s10 =	sld [smem:$0x3FB4]  }
0x3d: {  	_ =	shalt  }
0x3e: {  	_ =	shalt  }
0x3f: {  	_ =	shalt  }
0x40: {  	_ =	shalt  }
0x41: {  	_ =	shalt  }
0x42: {  	_ =	shalt  }
0x43: {  	_ =	shalt  }
0x44: {  	_ =	shalt  }
0x45: {  	_ =	shalt  }
0x46: {  	_ =	shalt  }
0x47: {  	_ =	shalt  }
0x48: {  	_ =	shalt  }
0x49: {  	_ =	shalt  }
0x4a: {  	_ =	shalt  }
0x4b: {  	_ =	shalt  }
0x4c: {  	_ =	shalt  }
0x4d: {  	_ =	shalt  }
0x4e: {  	_ =	shalt  }
0x4f: {  	_ =	shalt  }
0x50: {  	_ =	shalt  }
0x51: {  	_ =	shalt  }
0x52: {  	_ =	shalt  }
0x53: {  	_ =	shalt  }
0x54: {  	_ =	shalt  }
0x55: {  	_ =	shalt  }
0x56: {  	_ =	shalt  }
0x57: {  	_ =	shalt  }
0x58: {  	_ =	shalt  }
0x59: {  	_ =	shalt  }
0x5a: {  	_ =	shalt  }
0x5b: {  	_ =	shalt  }
0x5c: {  	_ =	shalt  }
0x5d: {  	_ =	shalt  }
0x5e: {  	_ =	shalt  }
0x5f: {  	_ =	shalt  }
0x60: {  	_ =	shalt  }
0x61: {  	_ =	shalt  }
0x62: {  	_ =	shalt  }
0x63: {  	_ =	shalt  }
0x64: {  	_ =	shalt  }
0x65: {  	_ =	shalt  }
0x66: {  	_ =	shalt  }
0x67: {  	_ =	shalt  }
0x68: {  	_ =	shalt  }
0x69: {  	_ =	shalt  }
0x6a: {  	_ =	shalt  }
0x6b: {  	_ =	shalt  }
0x6c: {  	_ =	shalt  }
0x6d: {  	_ =	shalt  }
0x6e: {  	_ =	shalt  }
0x6f: {  	_ =	shalt  }
0x70: {  	_ =	shalt  }
0x71: {  	_ =	shalt  }
0x72: {  	_ =	shalt  }
0x73: {  	_ =	shalt  }
0x74: {  	_ =	shalt  }
0x75: {  	_ =	shalt  }
0x76: {  	_ =	shalt  }
0x77: {  	_ =	shalt  }
0x78: {  	_ =	shalt  }
0x79: {  	_ =	shalt  }
0x7a: {  	_ =	shalt  }
0x7b: {  	_ =	shalt  }
0x7c: {  	_ =	shalt  }
0x7d: {  	_ =	shalt  }
0x7e: {  	_ =	shalt  }
0x7f: {  	_ =	shalt  }
0x80: {  	_ =	shalt  }
0x81: {  	_ =	shalt  }
0x82: {  	_ =	shalt  }
0x83: {  	_ =	shalt  }
0x84: {  	_ =	shalt  }
0x85: {  	_ =	shalt  }
0x86: {  	_ =	shalt  }
0x87: {  	_ =	shalt  }
.Lfunc_end0:
.L_simem_size_0:
called_computation_lowered:
.L_overlay_start_0:
0x88: {  	s2 =	sld [smem:$0x3FD9]  }
0x89: {  	s3 =	sld [smem:$0x3FFE];
	_ =	sdelay $0x1  }
0x8a: {  	s1 =	srdreg.scid  }
0x8b: {  	s0 =	sand.u32 $0x1, s1  }
0x8c: {  	s16 =	sshll.u32 s0, $0xA;
	s2 =	sadd.s32 s3, s2  }
0x8d: {  	s2 =	sadd.s32 s2, s16  }
0x8e: {  	[smem:$0x3FC0] =	sst s2  }
0x8f: {  	_ = 	snop  }
0x90: {  	(tm) =	ssettm $0x1  }
0x91: {  	s17 =	sld [smem:$0x3FFB];
	_ =	sdelay $0x3  }
0x92: {  	_ =	strace s17  }
0x93: {  	s2 =	sld [smem:$0x3FFC];
	_ =	sdelay $0x3  }
0x94: {  	_ =	strace s2  }
0x95: {  	s2 =	sld [smem:$0x3FFD];
	_ =	sdelay $0x3  }
0x96: {  	_ =	strace s2  }
0x97: {  	_ =	strace $0x8FFFFFFF  }
0x98: {  	s18 =	sld [smem:$0x3FDB];
	_ =	sdelay $0x1  }
0x99: {  	s19 =	simm.s32 $_scs_section_size  }
0x9a: {  	s4 =	simm.s32 $_size__tile_overlayer_lowered;
	s5 =	simm.s32 $_tile_overlayer_lowered  }
0x9b: {  	s22 =	simm.s32 $0x1BFF;
	s21 =	sshll.u32 s5, $0x1;
	s2 =	sadd.s32 s19, s18  }
0x9c: {  	s6 =	simm.s32 $0x0;
	s20 =	sshll.u32 s4, $0x1;
	s4 =	sadd.s32 s21, s2  }
0x9d: {  	[timem:s6], [sflag:s22] =	dma.local [hbm:s4], s20  }
0x9e: {  	_ =	swait.ge [sflag:s22], s20  }
0x9f: {  	s3 =	ssub.s32 $0x0, s20;
	[sflag:s22] =	ssyncset.done $0x0  }
0xa0: {  	[sflag:s22] =	ssyncadd.s32 s3;
	_ =	sdelay $0x1  }
0xa1: {  	s23 =	simm.s32 $0x1B8B  }
0xa2: {  	_ =	swait.ge [sflag:s23], $0x1  }
0xa3: {  	[sflag:s23] =	ssyncset.done $0x0  }
0xa4: {  	s25 =	simm.s32 $0x1B8E;
	s24 =	sld [smem:$0x3FFE];
	[sflag:s23] =	ssyncadd.s32 $0xFFFFFFFF  }
0xa5: {  	s26 =	simm.s32 $execute0_lowered;
	[smem:$0x3FD2] =	sst s25  }
0xa6: {  	s4 =	sshll.u32 s26, $0x1;
	_ =	strace $0x80000046;
	[dreg:$0x1] =	wrdreg $0xFFFFFFFF  }
0xa7: {  	s28 =	simm.s32 $_size_execute0_lowered;
	s2 =	sadd.s32 s2, s4;
	[dreg:$0x0] =	wrdreg $0x0  }
0xa8: {  	s4 =	sshll.u32 s28, $0x1;
	[dreg:$0x2] =	wrdreg s2  }
0xa9: {  	[dreg:$0x3] =	wrdreg s4  }
0xaa: {  	[dreg:$0x4] =	wrdreg $0xC0  }
0xab: {  	_ =	task [dreg:s6], $0x5FFFF  }
0xac: {  	[dreg:$0x1] =	wrdreg $0xFFFFFFFF  }
0xad: {  	[dreg:$0x0] =	wrdreg $0x60  }
0xae: {  	[dreg:$0x2] =	wrdreg s24  }
0xaf: {  	[dreg:$0x3] =	wrdreg $0xE000  }
0xb0: {  	[dreg:$0x4] =	wrdreg $0x9  }
0xb1: {  	_ =	task.clear_ibuf [dreg:s6], $0x5FFFF;
	_ =	strace $0x90000046  }
0xb2: {  	s29 =	simm.s32 $0x9;
	_ =	strace $0x80000048  }
0xb3: {  	_ =	swait.ge [sflag:s29], $0x1  }
0xb4: {  	[sflag:s29] =	ssyncadd.s32 $0xFFFFFFFF  }
0xb5: {  	_ =	strace $0x90000048  }
0xb6: {  	_ =	sfence  }
0xb7: {  	s30 =	sld [smem:$0x0];
	_ =	sdelay $0x2  }
0xb8: {  	s31 =	sshll.u32 s1, $0xD;
	s1 =	sshrl.u32 s1, $0x2  }
0xb9: {  	s3 =	sand.u32 $0x4000, s31;
	s1 =	sadd.s32 s1, s30  }
0xba: {  	s0 =	sor.u32 s3, s0;
	s1 =	sshll.u32 s1, $0x11  }
0xbb: {  	s0 =	sor.u32 s1, s0  }
0xbc: {  	s0 =	sadd.s32 $0x8F2B, s0  }
0xbd: {  	[sflag:s0] =	ssyncadd.remote.s32 $0x1  }
0xbe: {  	_ =	sfence.sel $0xFFFF  }
0xbf: {  	[dreg:$0x0] =	wrdreg $0xFFFFFFFF;
	(pc) =	sbr.abs _section_cstart, $3  }
0xc0: {  	[dreg:$0x1] =	wrdreg $0xFFFFFFFF  }
0xc1: {  	_ =	task.clear_ibuf [dreg:s6], $0x2FFFF;
	_ =	strace $0x9FFFFFFF  }
0xc2: {  	(tm) =	ssettm $0x7FFFFFFF  }
0xc3: {  	_ =	shalt  }
tec
execute0_lowered:
.L_overlay_start_1:
0x0: {  	(tag) =	ssettag $0x1  }
0x1: {  	s4 =	rddreg [dreg:$0x0]  }
0x2: {  	s2 =	rddreg [dreg:$0x1]  }
0x3: {  	s0 =	rddreg [dreg:$0x2];
	s5 =	srdreg.scid  }
0x4: {  	s1 =	stileid.u32;
	s3 =	simm.s32 $0x0;
	s13 =	simm.s32 $0x800  }
0x5: {  	s14 =	simm.s32 $0x880;
	s15 =	simm.s32 $0x1;
	s16 =	simm.s32 $0x80  }
0x6: {  	s17 =	simm.s32 $0x2;
	s5 =	sand.u32 $0x1, s5;
	s18 =	smul.u32 $0xA0, s1  }
0x7: {  	s6 =	sshll.u32 s1, $0x1;
	[smem:$0x7FF] =	sst s3;
	s28 =	smul.u32 $0x1400, s1  }
0x8: {  	s8 =	sadd.s32 $0x1800, s4;
	s11 =	ssub.s32 $0x8D, s1;
	s7 =	smul.u32 $0x4EC0, s5  }
0x9: {  	s6 =	sor.u32 s5, s6;
	s9 =	ssub.s32 $0x2, s5;
	s12 =	smul.u32 $0x50, s5  }
0xa: {  	_ =	strace $0x80000047;
	s6 =	smul.u32 $0x500, s6;
	s10 =	sshrl.u32 s9, $0x1  }
0xb: {  	s30 =	sshrl.u32 s28, $0x2;
	s7 =	sadd.s32 s7, s4;
	s9 =	ssub.s32 s9, s10  }
0xc: {  	s4 =	sshrl.u32 s11, $0x4;
	s29 =	sadd.s32 s12, s18;
	s12 =	simm.s32 $0x3  }
0xd: {  	s5 =	sadd.s32 s8, s6;
	s19 =	sadd.s32 $0xB800, s7;
	s11 =	sshll.u32 s29, $0x4  }
0xe: {  	s7 =	smax.u32 s9, $0x1;
	s6 =	sadd.s32 $0x10, s5;
	s31 =	sadd.s32 s11, s8  }
0xf: {  	s8 =	sadd.s32 s30, s2;
	s11 =	simm.s32 $0x900;
	s18 =	sadd.s32 s19, s18  }
0x10: {  	v0 =	vimm.f32 $1.000000000e+00;
	v1 =	vimm.f32 $0.0e+00;
	s19 =	simm.s32 $0x0;
	s9 =	sadd.s32 $0x30, s31;
	s10 =	sadd.s32 $0x20, s31  }
.LBB2_1:
0x11: {  	s20 =	simm.s32 $0x0  }
.LBB2_2:
0x12: {  	p0 =	sne.s32 s20, $0x1FC0  }
.Ltmp0:
0x13: {  	_ = 	snop;
	(pc) =	sbr.rel @p0 .LBB2_2-.Ltmp0, $3  }
0x14: {  	_ =	sdelay $0x1  }
0x15: {  	s21 =	sshra.s32 s20, $0x2  }
0x16: {  	s20 =	sadd.s32 $0x40, s20;
	[tilespmem:s21+$0x0] =	vst v0  }
0x17: {  	s20 =	simm.s32 $0x40;
	s21 =	simm.s32 $0x0  }
.LBB2_4:
0x18: {  	p0 =	sne.s32 s20, $0x13C0;
	[tilespmem:s21+$0x900] =	vst v1;
	s21 =	smov.u32 s20;
	s20 =	sadd.s32 $0x40, s20  }
.Ltmp1:
0x19: {  	(pc) =	sbr.rel @p0 .LBB2_4-.Ltmp1, $2  }
0x1a: {  	_ =	sdelay $0x2  }
0x1b: {  	s21 =	sshra.s32 s21, $0x2  }
0x1c: {  	p0 =	sne.s32 s4, $0x1  }
.Ltmp2:
0x1d: {  	_ = 	snop;
	(pc) =	sbr.rel @!p0 .LBB2_7-.Ltmp2, $4  }
0x1e: {  	[tilespmem:s21+$0x900] =	vst v1  }
0x1f: {  	[spmem:s8] =	stream.linear.scatter [tilespmem:s11], [sflag:$0x3], $0x500, $0x38;
	[tilespmem:$0x3560] =	vst v63  }
0x20: {  	_ =	swait.ge [sflag:s12], $0x500  }
0x21: {  	s20 =	sadd.s32 $0xFFFFFFFF, s4;
	s21 =	smov.u32 s8;
	[sflag:s12] =	ssyncset.done $0x0  }
.LBB2_6:
0x22: {  	p1 =	sne.s32 s20, $0x1;
	[sflag:s12] =	ssyncadd.s32 $0xFFFFFB00;
	s21 =	sadd.s32 $0x5000, s21  }
.Ltmp3:
0x23: {  	s20 =	sadd.s32 $0xFFFFFFFF, s20;
	(pc) =	sbr.rel @p1 .LBB2_6-.Ltmp3, $4  }
0x24: {  	_ = 	snop  }
0x25: {  	[spmem:s21] =	stream.linear.scatter [tilespmem:s11], [sflag:$0x3], $0x500, $0x38;
	[tilespmem:$0x3560] =	vst v63  }
0x26: {  	_ =	swait.ge [sflag:s12], $0x500  }
0x27: {  	[sflag:s12] =	ssyncset.done $0x0  }
.LBB2_7:
0x28: {  	[sflag:s12] =	ssyncadd.s32 $0xFFFFFB00  }
0x29: {  	s20 =	simm.s32 $0x0;
	[bflag:$0x0] =	sbarrier.arrive $0xFFFF  }
0x2a: {  	[tilespmem:s13], [sflag:$0x1] =	stream.linear.gather [hbm4b:s5+s20], $0x80, $0x38;
	[tilespmem:$0x3560] =	vst v63  }
0x2b: {  	_ = 	snop  }
0x2c: {  	[tilespmem:s14], [sflag:$0x2] =	stream.linear.gather [hbm4b:s6+s20], $0x80, $0x38;
	[tilespmem:$0x3560] =	vst v63  }
0x2d: {  	_ =	swait.ge [sflag:s15], $0x80  }
0x2e: {  	[sflag:s15] =	ssyncset.done $0x0  }
0x2f: {  	[sflag:s15] =	ssyncadd.s32 $0xFFFFFF80  }
0x30: {  	[spmem:s2] =	stream.indirect.scatter.add.f32 [tilespmem:s3], [sflag:$0x3], $0x10, s13, s16, $0xb8;
	[tilespmem:$0x3560] =	vst v63  }
0x31: {  	_ =	swait.ge [sflag:s12], $0x800  }
0x32: {  	[sflag:s12] =	ssyncset.done $0x0  }
0x33: {  	s31 =	sadd.s32 $0x0, s10;
	[sflag:s12] =	ssyncadd.s32 $0xFFFFF800  }
0x34: {  	[tilespmem:s13], [sflag:$0x1] =	stream.linear.gather [hbm4b:s31+s3], $0x80, $0x38;
	[tilespmem:$0x3560] =	vst v63  }
0x35: {  	_ =	swait.ge [sflag:s17], $0x80  }
0x36: {  	[sflag:s17] =	ssyncset.done $0x0  }
0x37: {  	[sflag:s17] =	ssyncadd.s32 $0xFFFFFF80  }
0x38: {  	[spmem:s2] =	stream.indirect.scatter.add.f32 [tilespmem:s3], [sflag:$0x3], $0x10, s14, s16, $0xb8;
	[tilespmem:$0x3560] =	vst v63  }
0x39: {  	_ =	swait.ge [sflag:s12], $0x800  }
0x3a: {  	[sflag:s12] =	ssyncset.done $0x0  }
0x3b: {  	s21 =	sadd.s32 $0x0, s9;
	s20 =	simm.s32 $0x20;
	[sflag:s12] =	ssyncadd.s32 $0xFFFFF800  }
.LBB2_8:
0x3c: {  	[tilespmem:s14], [sflag:$0x2] =	stream.linear.gather [hbm4b:s21+s3], $0x80, $0x38;
	[tilespmem:$0x3560] =	vst v63  }
0x3d: {  	s21 =	smov.u32 s20  }
0x3e: {  	p1 =	sne.s32 s20, $0x4C0;
	s20 =	sadd.s32 $0x20, s20;
	_ =	swait.ge [sflag:s15], $0x80  }
0x3f: {  	[sflag:s15] =	ssyncset.done $0x0  }
0x40: {  	[sflag:s15] =	ssyncadd.s32 $0xFFFFFF80  }
0x41: {  	[spmem:s2] =	stream.indirect.scatter.add.f32 [tilespmem:s3], [sflag:$0x3], $0x10, s13, s16, $0xb8;
	[tilespmem:$0x3560] =	vst v63  }
0x42: {  	_ =	swait.ge [sflag:s12], $0x800  }
0x43: {  	[sflag:s12] =	ssyncset.done $0x0  }
0x44: {  	s22 =	sadd.s32 s21, s10;
	[sflag:s12] =	ssyncadd.s32 $0xFFFFF800  }
0x45: {  	[tilespmem:s13], [sflag:$0x1] =	stream.linear.gather [hbm4b:s22+s3], $0x80, $0x38;
	[tilespmem:$0x3560] =	vst v63  }
0x46: {  	_ =	swait.ge [sflag:s17], $0x80  }
0x47: {  	[sflag:s17] =	ssyncset.done $0x0  }
.Ltmp4:
0x48: {  	[sflag:s17] =	ssyncadd.s32 $0xFFFFFF80;
	(pc) =	sbr.rel @p1 .LBB2_8-.Ltmp4, $4  }
0x49: {  	[spmem:s2] =	stream.indirect.scatter.add.f32 [tilespmem:s3], [sflag:$0x3], $0x10, s14, s16, $0xb8;
	[tilespmem:$0x3560] =	vst v63  }
0x4a: {  	_ =	swait.ge [sflag:s12], $0x800  }
0x4b: {  	[sflag:s12] =	ssyncset.done $0x0  }
0x4c: {  	s21 =	sadd.s32 s21, s9;
	[sflag:s12] =	ssyncadd.s32 $0xFFFFF800  }
0x4d: {  	[tilespmem:s14], [sflag:$0x2] =	stream.linear.gather [hbm4b:s21+s3], $0x80, $0x38;
	[tilespmem:$0x3560] =	vst v63  }
0x4e: {  	_ =	swait.ge [sflag:s15], $0x80  }
0x4f: {  	[sflag:s15] =	ssyncset.done $0x0  }
0x50: {  	[sflag:s15] =	ssyncadd.s32 $0xFFFFFF80  }
0x51: {  	[spmem:s2] =	stream.indirect.scatter.add.f32 [tilespmem:s3], [sflag:$0x3], $0x10, s13, s16, $0xb8;
	[tilespmem:$0x3560] =	vst v63  }
0x52: {  	_ =	swait.ge [sflag:s12], $0x800  }
0x53: {  	[sflag:s12] =	ssyncset.done $0x0  }
0x54: {  	[sflag:s12] =	ssyncadd.s32 $0xFFFFF800  }
0x55: {  	_ =	swait.ge [sflag:s17], $0x80  }
0x56: {  	[sflag:s17] =	ssyncset.done $0x0  }
0x57: {  	[sflag:s17] =	ssyncadd.s32 $0xFFFFFF80  }
0x58: {  	[spmem:s2] =	stream.indirect.scatter.add.f32 [tilespmem:s3], [sflag:$0x3], $0x10, s14, s16, $0xb8;
	[tilespmem:$0x3560] =	vst v63  }
0x59: {  	_ =	swait.ge [sflag:s12], $0x800  }
.Ltmp5:
0x5a: {  	[sflag:s12] =	ssyncset.done $0x0;
	(pc) =	sbr.rel @!p0 .LBB2_11-.Ltmp5, $4  }
0x5b: {  	s20 =	sshll.u32 s1, $0x6;
	s31 =	sshrl.u32 s8, $0x3;
	[sflag:s12] =	ssyncadd.s32 $0xFFFFF800  }
0x5c: {  	s21 =	sadd.s32 $0xFFFFFFFF, s4;
	s20 =	sor.u32 $0x1C03, s20;
	[bflag:$0x0] =	sbarrier.arrive $0xFFFF  }
0x5d: {  	[hbm:s18], [sflag:s20] =	dma.local [spmem:s31], $0xA0  }
0x5e: {  	s22 =	sadd.s32 $0x5000, s8;
	s23 =	smov.u32 s18;
	_ =	swait.ge [sflag:s12], $0xA0  }
.LBB2_10:
0x5f: {  	[sflag:s12] =	ssyncset.done $0x0;
	s23 =	sadd.s32 $0xA00, s23;
	p0 =	sne.s32 s21, $0x1  }
.Ltmp6:
0x60: {  	s24 =	sshrl.u32 s22, $0x3;
	[sflag:s12] =	ssyncadd.s32 $0xFFFFFF60;
	(pc) =	sbr.rel @p0 .LBB2_10-.Ltmp6, $3  }
0x61: {  	[hbm:s23], [sflag:s20] =	dma.local [spmem:s24], $0xA0  }
0x62: {  	s21 =	sadd.s32 $0xFFFFFFFF, s21;
	_ =	sdelay $0x1  }
0x63: {  	s22 =	sadd.s32 $0x5000, s22;
	_ =	swait.ge [sflag:s12], $0xA0  }
.LBB2_11:
0x64: {  	s19 =	sadd.s32 $0x1, s19  }
0x65: {  	p0 =	sne.s32 s19, s7  }
.Ltmp7:
0x66: {  	_ = 	snop;
	(pc) =	sbr.rel @p0 .LBB2_1-.Ltmp7, $3  }
0x67: {  	_ =	sdelay $0x1  }
0x68: {  	[sflag:s12] =	ssyncset.done $0x0  }
0x69: {  	[sflag:s12] =	ssyncadd.s32 $0xFFFFFF60  }
0x6a: {  	_ =	sfence.sel $0x180000  }
0x6b: {  	[bflag:$0x0] =	sbarrier.arrive $0xFFFF  }
0x6c: {  	p0 =	sne.s32 s1, $0x0;
	_ =	strace $0x90000047  }
0x6d: {  	s0 =	sadd.s32 @!p0 $0x100000, s0;
	[bflag:$0x2] =	sbarrier.arrive $0xFFFF  }
0x6e: {  	[sflag:s0] =	ssyncadd.tile.s32 @!p0 $0x1;
	_ =	shalt  }
.Lfunc_end2:
_tile_overlayer_lowered:
.L_overlay_start_2:
0x6f: {  	(tag) =	ssettag $0x2  }
0x70: {  	s0 =	rddreg [dreg:$0x0];
	s2 =	stileid.u32  }
0x71: {  	s1 =	rddreg [dreg:$0x1];
	p0 =	sne.s32 s2, $0x0  }
0x72: {  	s3 =	rddreg [dreg:$0x2];
	[bflag:$0x3] =	sbarrier.arrive $0xFFFF;
	s2 =	simm.s32 @!p0 $0x1C03  }
0x73: {  	[timem:s3], [sflag:s2] =	dma.local @!p0 [hbm:s0], s1  }
0x74: {  	s0 =	simm.s32 @!p0 $0x3  }
0x75: {  	_ =	swait.ge @!p0 [sflag:s0], s1  }
0x76: {  	s1 =	ssub.s32 @!p0 $0x0, s1;
	[sflag:s0] =	ssyncset.done @!p0 $0x0  }
0x77: {  	[sflag:s0] =	ssyncadd.s32 @!p0 s1  }
0x78: {  	[bflag:$0x3] =	sbarrier.arrive $0xFFFF  }
0x79: {  	_ =	shalt  }

</sc_bundles>
